<compile_context>
chip_gen: v7x
topology: tpu7x:2x2x1
jax: 0.10.2.dev20260603
libtpu: 0.0.44.dev20260713+nightly
codegen_flags: <defaults>
</compile_context>

<pallas_src>
import functools

import jax
import jax.numpy as jnp
from jax import lax
from jax.experimental import pallas as pl
from jax.experimental.pallas import tpu as pltpu
from jax.experimental.pallas import tpu_sc as plsc

NC = 2
NS = 16
NW = NC * NS


NB = 5


def _sc_bag(xf, didx, zeros, embed, batch):
    rtot, lw = xf.shape
    d = embed.shape[1]
    rpw = rtot // NW
    bpw = batch // NW
    mesh = plsc.VectorSubcoreMesh(core_axis_name="c", subcore_axis_name="s")

    @functools.partial(
        pl.kernel,
        out_type=jax.ShapeDtypeStruct((batch, d), jnp.float32),
        mesh=mesh,
        scratch_types=[
            pltpu.VMEM((rpw, lw), jnp.int32),
            pltpu.VMEM((rpw, lw), jnp.int32),
            [pltpu.VMEM((lw, d), jnp.float32) for _ in range(NB)],
            pltpu.VMEM((bpw, d), jnp.float32),
            pltpu.VMEM_SHARED((batch, d), jnp.float32),
            [pltpu.SemaphoreType.DMA for _ in range(NB)],
            [pltpu.SemaphoreType.DMA for _ in range(NB)],
        ],
        compiler_params=pltpu.CompilerParams(use_tc_tiling_on_sc=False),
    )
    def k(xf_h, didx_h, zeros_h, embed_h, out_h,
          xblk, dblk, gbs, obuf, acc, gsems, ssems):
        c = lax.axis_index("c")
        s = lax.axis_index("s")
        wid = s * NC + c
        rbase = wid * rpw
        bbase = wid * bpw

        pltpu.sync_copy(xf_h.at[pl.ds(rbase, rpw)], xblk)
        pltpu.sync_copy(didx_h.at[pl.ds(rbase, rpw)], dblk)
        pltpu.sync_copy(zeros_h, obuf)
        pltpu.sync_copy(obuf, acc.at[pl.ds(bbase, bpw)])

        for b in range(NB):
            pltpu.async_copy(embed_h.at[xblk.at[b]], gbs[b], gsems[b])

        def body(i, carry):
            g = NB * i
            for b in range(NB):
                pltpu.make_async_copy(embed_h.at[xblk.at[0]], gbs[b],
                                      gsems[b]).wait()
                pltpu.async_copy(gbs[b], acc.at[dblk.at[g + b]], ssems[b],
                                 add=True)
            for b in range(NB):
                pltpu.make_async_copy(gbs[b], acc.at[dblk.at[0]],
                                      ssems[b]).wait()
                pltpu.async_copy(embed_h.at[xblk.at[g + NB + b]], gbs[b],
                                 gsems[b])
            return carry

        lax.fori_loop(0, rpw // NB - 1, body, 0)

        g_last = rpw - NB
        for b in range(NB):
            pltpu.make_async_copy(embed_h.at[xblk.at[0]], gbs[b],
                                  gsems[b]).wait()
            pltpu.async_copy(gbs[b], acc.at[dblk.at[g_last + b]], ssems[b],
                             add=True)
        for b in range(NB):
            pltpu.make_async_copy(gbs[b], acc.at[dblk.at[0]], ssems[b]).wait()

        pltpu.sync_copy(acc.at[pl.ds(bbase, bpw)], obuf)
        pltpu.sync_copy(obuf, out_h.at[pl.ds(bbase, bpw)])

    return k(xf, didx, zeros, embed)


def _tc_mlp(s, W1, b1, W2, b2, n_rows):
    batch, d = s.shape
    hid = W1.shape[0]
    ncls = W2.shape[0]
    hp = 128
    W1p = jnp.zeros((hp, d), jnp.float32).at[:hid].set(W1)
    b1p = jnp.zeros((1, hp), jnp.float32).at[0, :hid].set(b1)
    W2p = jnp.zeros((ncls, hp), jnp.float32).at[:, :hid].set(W2)
    b2p = b2.reshape(1, ncls)
    bt = 512
    scale = 1.0 / n_rows

    def body(s_ref, w1_ref, b1_ref, w2_ref, b2_ref, o_ref):
        m = s_ref[...] * scale
        h = lax.dot_general(m, w1_ref[...], (((1,), (1,)), ((), ())),
                            preferred_element_type=jnp.float32)
        h = jnp.maximum(h + b1_ref[...], 0.0)
        o = lax.dot_general(h, w2_ref[...], (((1,), (1,)), ((), ())),
                            preferred_element_type=jnp.float32)
        o_ref[...] = o + b2_ref[...]

    return pl.pallas_call(
        body,
        grid=(batch // bt,),
        in_specs=[
            pl.BlockSpec((bt, d), lambda i: (i, 0)),
            pl.BlockSpec((hp, d), lambda i: (0, 0)),
            pl.BlockSpec((1, hp), lambda i: (0, 0)),
            pl.BlockSpec((ncls, hp), lambda i: (0, 0)),
            pl.BlockSpec((1, ncls), lambda i: (0, 0)),
        ],
        out_specs=pl.BlockSpec((bt, ncls), lambda i: (i, 0)),
        out_shape=jax.ShapeDtypeStruct((batch, ncls), jnp.float32),
    )(s, W1p, b1p, W2p, b2p)


def kernel(x, embed, W1, b1, W2, b2):
    batch, hist = x.shape
    d = embed.shape[1]
    lw = 128
    xf = x.reshape(-1, lw)
    didx = (jnp.arange(batch * hist, dtype=jnp.int32) // hist).reshape(-1, lw)
    zeros = jnp.zeros((batch // NW, d), jnp.float32)
    sums = _sc_bag(xf, didx, zeros, embed, batch)
    return _tc_mlp(sums, W1, b1, W2, b2, batch)

# --- scband reference (transcript-rebuilt; emitter-appended) ---
"""Pipeline reference for scband-cbow-mean-86483461472716 (READ-ONLY COPY).

The authoritative reference and input builder live on the scoring server;
editing this copy changes nothing except your own understanding.
"""

import jax, jax.numpy as jnp
import numpy as np

VOCAB = 1000000
EMBED_DIM = 64
HIDDEN = 100
NUM_CLASSES = 1000
BATCH = 4096
HIST = 200

def setup_inputs(seed: int = 0) -> dict:
    key = jax.random.key(seed)
    k1, k2, k3, k4, k5, k6 = jax.random.split(key, 6)
    x = jax.random.randint(k1, (BATCH, HIST), 0, VOCAB, dtype=jnp.int32)
    embed = jax.random.normal(k2, (VOCAB, EMBED_DIM), dtype=jnp.float32) * 0.02
    W1 = jax.random.normal(k3, (HIDDEN, EMBED_DIM), dtype=jnp.float32) * (1.0 / np.sqrt(EMBED_DIM))
    b1 = jnp.zeros((HIDDEN,), dtype=jnp.float32)
    W2 = jax.random.normal(k4, (NUM_CLASSES, HIDDEN), dtype=jnp.float32) * (1.0 / np.sqrt(HIDDEN))
    b2 = jnp.zeros((NUM_CLASSES,), dtype=jnp.float32)
    return {"x": x, "embed": embed, "W1": W1, "b1": b1, "W2": W2, "b2": b2}

def reference(x, embed, W1, b1, W2, b2):
    # embedding lookup (gather)
    e = jnp.take(embed, x, axis=0)            # [B, L, D]
    # faithful to original mean_rows: sum over dim 1, divide by x.shape[0] (batch size)
    n_rows = e.shape[0]
    s = jnp.sum(e, axis=1)                    # [B, D]
    m = s / n_rows
    h = jax.nn.relu(m @ W1.T + b1)            # [B, 100]
    # dropout is identity in eval mode
    out = h @ W2.T + b2                        # [B, num_classes]
    return out

if __name__ == "__main__":
    import jax
    _d = setup_inputs()
    print(jax.jit(kernel)(*tuple(_d.values())))

</pallas_src>

<mosaic_0001>
#map = affine_map<(d0, d1) -> (0, 0)>
module attributes {stable_mosaic.version = 14 : i64} {
  func.func @k(%arg0: i32, %arg1: i32, %arg2: memref<6400x128xi32, #tpu.memory_space<hbm>>, %arg3: memref<6400x128xi32, #tpu.memory_space<hbm>>, %arg4: memref<128x64xf32, #tpu.memory_space<hbm>>, %arg5: memref<1000000x64xf32, #tpu.memory_space<hbm>>, %arg6: memref<4096x64xf32, #tpu.memory_space<hbm>>, %arg7: memref<200x128xi32, #tpu.memory_space<vmem>>, %arg8: memref<200x128xi32, #tpu.memory_space<vmem>>, %arg9: memref<128x64xf32, #tpu.memory_space<vmem>>, %arg10: memref<128x64xf32, #tpu.memory_space<vmem>>, %arg11: memref<128x64xf32, #tpu.memory_space<vmem>>, %arg12: memref<128x64xf32, #tpu.memory_space<vmem>>, %arg13: memref<128x64xf32, #tpu.memory_space<vmem>>, %arg14: memref<128x64xf32, #tpu.memory_space<vmem>>, %arg15: memref<4096x64xf32, #tpu.memory_space<vmem_shared>>, %arg16: memref<!tpu.dma_semaphore, #tpu.memory_space<semaphore_mem>>, %arg17: memref<!tpu.dma_semaphore, #tpu.memory_space<semaphore_mem>>, %arg18: memref<!tpu.dma_semaphore, #tpu.memory_space<semaphore_mem>>, %arg19: memref<!tpu.dma_semaphore, #tpu.memory_space<semaphore_mem>>, %arg20: memref<!tpu.dma_semaphore, #tpu.memory_space<semaphore_mem>>, %arg21: memref<!tpu.dma_semaphore, #tpu.memory_space<semaphore_mem>>, %arg22: memref<!tpu.dma_semaphore, #tpu.memory_space<semaphore_mem>>, %arg23: memref<!tpu.dma_semaphore, #tpu.memory_space<semaphore_mem>>, %arg24: memref<!tpu.dma_semaphore, #tpu.memory_space<semaphore_mem>>, %arg25: memref<!tpu.dma_semaphore, #tpu.memory_space<semaphore_mem>>) attributes {dimension_semantics = [#tpu.dimension_semantics<core_parallel>, #tpu.dimension_semantics<subcore_parallel>], iteration_bounds = array<i64: 2, 16>, scalar_prefetch = 0 : i64, scratch_operands = 19 : i64, tpu.core_type = #tpu.core_type<sc_vector_subcore>, window_params = [{transform_indices = #map}, {transform_indices = #map}, {transform_indices = #map}, {transform_indices = #map}, {transform_indices = #map}]} {
    %mul3A = arith.constant 2 : i32
    %mul3A_0 = arith.muli %arg1, %mul3A : i32
    %add3A = arith.addi %mul3A_0, %arg0 : i32
    %mul3A_1 = arith.constant 200 : i32
    %mul3A_2 = arith.muli %add3A, %mul3A_1 : i32
    %mul3A_3 = arith.constant 128 : i32
    %mul3A_4 = arith.muli %add3A, %mul3A_3 : i32
    "tpu.region"() ({
      %run_scoped3A = tpu.sem_alloc : memref<!tpu.dma_semaphore, #tpu.memory_space<semaphore_mem>>
      %dma_start3A_148 = arith.constant 0 : i32
      %dma_start3A_149 = tpu.memref_slice %arg2[%mul3A_2, %dma_start3A_148] : memref<6400x128xi32, #tpu.memory_space<hbm>> -> memref<200x128xi32, #tpu.memory_space<hbm>>
      %dma_start3A_150 = arith.constant 0 : i32
      %dma_start3A_151 = tpu.memref_slice %arg2[%mul3A_2, %dma_start3A_150] : memref<6400x128xi32, #tpu.memory_space<hbm>> -> memref<200x128xi32, #tpu.memory_space<hbm>>
      tpu.enqueue_dma source(%dma_start3A_151 : memref<200x128xi32, #tpu.memory_space<hbm>>) target(%arg7 : memref<200x128xi32, #tpu.memory_space<vmem>>) target_semaphore(%run_scoped3A : memref<!tpu.dma_semaphore, #tpu.memory_space<semaphore_mem>>)
      %dma_wait3A_152 = arith.constant 0 : i32
      %dma_wait3A_153 = tpu.memref_slice %arg2[%mul3A_2, %dma_wait3A_152] : memref<6400x128xi32, #tpu.memory_space<hbm>> -> memref<200x128xi32, #tpu.memory_space<hbm>>
      %dma_wait3A_154 = arith.constant 0 : i32
      %dma_wait3A_155 = tpu.memref_slice %arg2[%mul3A_2, %dma_wait3A_154] : memref<6400x128xi32, #tpu.memory_space<hbm>> -> memref<200x128xi32, #tpu.memory_space<hbm>>
      tpu.wait_dma2 semaphore(%run_scoped3A : memref<!tpu.dma_semaphore, #tpu.memory_space<semaphore_mem>>) src(%dma_wait3A_155 : memref<200x128xi32, #tpu.memory_space<hbm>>) dst(%arg7 : memref<200x128xi32, #tpu.memory_space<vmem>>)
      tpu.yield
    }) : () -> ()
    "tpu.region"() ({
      %run_scoped3A = tpu.sem_alloc : memref<!tpu.dma_semaphore, #tpu.memory_space<semaphore_mem>>
      %dma_start3A_148 = arith.constant 0 : i32
      %dma_start3A_149 = tpu.memref_slice %arg3[%mul3A_2, %dma_start3A_148] : memref<6400x128xi32, #tpu.memory_space<hbm>> -> memref<200x128xi32, #tpu.memory_space<hbm>>
      %dma_start3A_150 = arith.constant 0 : i32
      %dma_start3A_151 = tpu.memref_slice %arg3[%mul3A_2, %dma_start3A_150] : memref<6400x128xi32, #tpu.memory_space<hbm>> -> memref<200x128xi32, #tpu.memory_space<hbm>>
      tpu.enqueue_dma source(%dma_start3A_151 : memref<200x128xi32, #tpu.memory_space<hbm>>) target(%arg8 : memref<200x128xi32, #tpu.memory_space<vmem>>) target_semaphore(%run_scoped3A : memref<!tpu.dma_semaphore, #tpu.memory_space<semaphore_mem>>)
      %dma_wait3A_152 = arith.constant 0 : i32
      %dma_wait3A_153 = tpu.memref_slice %arg3[%mul3A_2, %dma_wait3A_152] : memref<6400x128xi32, #tpu.memory_space<hbm>> -> memref<200x128xi32, #tpu.memory_space<hbm>>
      %dma_wait3A_154 = arith.constant 0 : i32
      %dma_wait3A_155 = tpu.memref_slice %arg3[%mul3A_2, %dma_wait3A_154] : memref<6400x128xi32, #tpu.memory_space<hbm>> -> memref<200x128xi32, #tpu.memory_space<hbm>>
      tpu.wait_dma2 semaphore(%run_scoped3A : memref<!tpu.dma_semaphore, #tpu.memory_space<semaphore_mem>>) src(%dma_wait3A_155 : memref<200x128xi32, #tpu.memory_space<hbm>>) dst(%arg8 : memref<200x128xi32, #tpu.memory_space<vmem>>)
      tpu.yield
    }) : () -> ()
    "tpu.region"() ({
      %run_scoped3A = tpu.sem_alloc : memref<!tpu.dma_semaphore, #tpu.memory_space<semaphore_mem>>
      tpu.enqueue_dma source(%arg4 : memref<128x64xf32, #tpu.memory_space<hbm>>) target(%arg14 : memref<128x64xf32, #tpu.memory_space<vmem>>) target_semaphore(%run_scoped3A : memref<!tpu.dma_semaphore, #tpu.memory_space<semaphore_mem>>)
      tpu.wait_dma2 semaphore(%run_scoped3A : memref<!tpu.dma_semaphore, #tpu.memory_space<semaphore_mem>>) src(%arg4 : memref<128x64xf32, #tpu.memory_space<hbm>>) dst(%arg14 : memref<128x64xf32, #tpu.memory_space<vmem>>)
      tpu.yield
    }) : () -> ()
    "tpu.region"() ({
      %run_scoped3A = tpu.sem_alloc : memref<!tpu.dma_semaphore, #tpu.memory_space<semaphore_mem>>
      %dma_start3A_148 = arith.constant 0 : i32
      %dma_start3A_149 = tpu.memref_slice %arg15[%mul3A_4, %dma_start3A_148] : memref<4096x64xf32, #tpu.memory_space<vmem_shared>> -> memref<128x64xf32, #tpu.memory_space<vmem_shared>>
      %dma_start3A_150 = arith.constant 0 : i32
      %dma_start3A_151 = tpu.memref_slice %arg15[%mul3A_4, %dma_start3A_150] : memref<4096x64xf32, #tpu.memory_space<vmem_shared>> -> memref<128x64xf32, #tpu.memory_space<vmem_shared>>
      tpu.enqueue_dma source(%arg14 : memref<128x64xf32, #tpu.memory_space<vmem>>) target(%dma_start3A_151 : memref<128x64xf32, #tpu.memory_space<vmem_shared>>) target_semaphore(%run_scoped3A : memref<!tpu.dma_semaphore, #tpu.memory_space<semaphore_mem>>)
      %dma_wait3A_152 = arith.constant 0 : i32
      %dma_wait3A_153 = tpu.memref_slice %arg15[%mul3A_4, %dma_wait3A_152] : memref<4096x64xf32, #tpu.memory_space<vmem_shared>> -> memref<128x64xf32, #tpu.memory_space<vmem_shared>>
      %dma_wait3A_154 = arith.constant 0 : i32
      %dma_wait3A_155 = tpu.memref_slice %arg15[%mul3A_4, %dma_wait3A_154] : memref<4096x64xf32, #tpu.memory_space<vmem_shared>> -> memref<128x64xf32, #tpu.memory_space<vmem_shared>>
      tpu.wait_dma2 semaphore(%run_scoped3A : memref<!tpu.dma_semaphore, #tpu.memory_space<semaphore_mem>>) src(%arg14 : memref<128x64xf32, #tpu.memory_space<vmem>>) dst(%dma_wait3A_155 : memref<128x64xf32, #tpu.memory_space<vmem_shared>>)
      tpu.yield
    }) : () -> ()
    %dma_start3A = arith.constant 0 : i32
    %dma_start3A_5 = arith.constant 0 : i32
    %dma_start3A_6 = tpu.memref_slice %arg7[%dma_start3A, %dma_start3A_5] : memref<200x128xi32, #tpu.memory_space<vmem>> -> memref<1x128xi32, #tpu.memory_space<vmem>>
    %dma_start3A_7 = tpu.memref_squeeze %dma_start3A_6 : memref<1x128xi32, #tpu.memory_space<vmem>> -> memref<128xi32, #tpu.memory_space<vmem>>
    %dma_start3A_8 = arith.constant 0 : i32
    %dma_start3A_9 = arith.constant 0 : i32
    %dma_start3A_10 = tpu.memref_slice %arg5[%dma_start3A_8, %dma_start3A_9] : memref<1000000x64xf32, #tpu.memory_space<hbm>> -> memref<1000000x64xf32, #tpu.memory_space<hbm>>
    tpu.enqueue_indirect_dma source(%dma_start3A_10 : memref<1000000x64xf32, #tpu.memory_space<hbm>>) target(%arg9 : memref<128x64xf32, #tpu.memory_space<vmem>>) offsets(%dma_start3A_7 : memref<128xi32, #tpu.memory_space<vmem>>) semaphore(%arg16 : memref<!tpu.dma_semaphore, #tpu.memory_space<semaphore_mem>>)
    %dma_start3A_11 = arith.constant 1 : i32
    %dma_start3A_12 = arith.constant 0 : i32
    %dma_start3A_13 = tpu.memref_slice %arg7[%dma_start3A_11, %dma_start3A_12] : memref<200x128xi32, #tpu.memory_space<vmem>> -> memref<1x128xi32, #tpu.memory_space<vmem>>
    %dma_start3A_14 = tpu.memref_squeeze %dma_start3A_13 : memref<1x128xi32, #tpu.memory_space<vmem>> -> memref<128xi32, #tpu.memory_space<vmem>>
    %dma_start3A_15 = arith.constant 0 : i32
    %dma_start3A_16 = arith.constant 0 : i32
    %dma_start3A_17 = tpu.memref_slice %arg5[%dma_start3A_15, %dma_start3A_16] : memref<1000000x64xf32, #tpu.memory_space<hbm>> -> memref<1000000x64xf32, #tpu.memory_space<hbm>>
    tpu.enqueue_indirect_dma source(%dma_start3A_17 : memref<1000000x64xf32, #tpu.memory_space<hbm>>) target(%arg10 : memref<128x64xf32, #tpu.memory_space<vmem>>) offsets(%dma_start3A_14 : memref<128xi32, #tpu.memory_space<vmem>>) semaphore(%arg17 : memref<!tpu.dma_semaphore, #tpu.memory_space<semaphore_mem>>)
    %dma_start3A_18 = arith.constant 2 : i32
    %dma_start3A_19 = arith.constant 0 : i32
    %dma_start3A_20 = tpu.memref_slice %arg7[%dma_start3A_18, %dma_start3A_19] : memref<200x128xi32, #tpu.memory_space<vmem>> -> memref<1x128xi32, #tpu.memory_space<vmem>>
    %dma_start3A_21 = tpu.memref_squeeze %dma_start3A_20 : memref<1x128xi32, #tpu.memory_space<vmem>> -> memref<128xi32, #tpu.memory_space<vmem>>
    %dma_start3A_22 = arith.constant 0 : i32
    %dma_start3A_23 = arith.constant 0 : i32
    %dma_start3A_24 = tpu.memref_slice %arg5[%dma_start3A_22, %dma_start3A_23] : memref<1000000x64xf32, #tpu.memory_space<hbm>> -> memref<1000000x64xf32, #tpu.memory_space<hbm>>
    tpu.enqueue_indirect_dma source(%dma_start3A_24 : memref<1000000x64xf32, #tpu.memory_space<hbm>>) target(%arg11 : memref<128x64xf32, #tpu.memory_space<vmem>>) offsets(%dma_start3A_21 : memref<128xi32, #tpu.memory_space<vmem>>) semaphore(%arg18 : memref<!tpu.dma_semaphore, #tpu.memory_space<semaphore_mem>>)
    %dma_start3A_25 = arith.constant 3 : i32
    %dma_start3A_26 = arith.constant 0 : i32
    %dma_start3A_27 = tpu.memref_slice %arg7[%dma_start3A_25, %dma_start3A_26] : memref<200x128xi32, #tpu.memory_space<vmem>> -> memref<1x128xi32, #tpu.memory_space<vmem>>
    %dma_start3A_28 = tpu.memref_squeeze %dma_start3A_27 : memref<1x128xi32, #tpu.memory_space<vmem>> -> memref<128xi32, #tpu.memory_space<vmem>>
    %dma_start3A_29 = arith.constant 0 : i32
    %dma_start3A_30 = arith.constant 0 : i32
    %dma_start3A_31 = tpu.memref_slice %arg5[%dma_start3A_29, %dma_start3A_30] : memref<1000000x64xf32, #tpu.memory_space<hbm>> -> memref<1000000x64xf32, #tpu.memory_space<hbm>>
    tpu.enqueue_indirect_dma source(%dma_start3A_31 : memref<1000000x64xf32, #tpu.memory_space<hbm>>) target(%arg12 : memref<128x64xf32, #tpu.memory_space<vmem>>) offsets(%dma_start3A_28 : memref<128xi32, #tpu.memory_space<vmem>>) semaphore(%arg19 : memref<!tpu.dma_semaphore, #tpu.memory_space<semaphore_mem>>)
    %dma_start3A_32 = arith.constant 4 : i32
    %dma_start3A_33 = arith.constant 0 : i32
    %dma_start3A_34 = tpu.memref_slice %arg7[%dma_start3A_32, %dma_start3A_33] : memref<200x128xi32, #tpu.memory_space<vmem>> -> memref<1x128xi32, #tpu.memory_space<vmem>>
    %dma_start3A_35 = tpu.memref_squeeze %dma_start3A_34 : memref<1x128xi32, #tpu.memory_space<vmem>> -> memref<128xi32, #tpu.memory_space<vmem>>
    %dma_start3A_36 = arith.constant 0 : i32
    %dma_start3A_37 = arith.constant 0 : i32
    %dma_start3A_38 = tpu.memref_slice %arg5[%dma_start3A_36, %dma_start3A_37] : memref<1000000x64xf32, #tpu.memory_space<hbm>> -> memref<1000000x64xf32, #tpu.memory_space<hbm>>
    tpu.enqueue_indirect_dma source(%dma_start3A_38 : memref<1000000x64xf32, #tpu.memory_space<hbm>>) target(%arg13 : memref<128x64xf32, #tpu.memory_space<vmem>>) offsets(%dma_start3A_35 : memref<128xi32, #tpu.memory_space<vmem>>) semaphore(%arg20 : memref<!tpu.dma_semaphore, #tpu.memory_space<semaphore_mem>>)
    %scan3A = arith.constant 0 : i32
    %scan3A_39 = arith.constant 0 : i32
    %scan3A_40 = arith.constant 39 : i32
    %scan3A_41 = arith.addi %scan3A_39, %scan3A_40 : i32
    %scan3A_42 = arith.constant 1 : i32
    scf.for %scan3A_148 = %scan3A_39 to %scan3A_41 step %scan3A_42  : i32 {
      %mul3A_149 = arith.constant 5 : i32
      %mul3A_150 = arith.muli %mul3A_149, %scan3A_148 : i32
      %dma_wait3A_151 = arith.constant 0 : i32
      %dma_wait3A_152 = arith.constant 0 : i32
      %dma_wait3A_153 = tpu.memref_slice %arg7[%dma_wait3A_151, %dma_wait3A_152] : memref<200x128xi32, #tpu.memory_space<vmem>> -> memref<1x128xi32, #tpu.memory_space<vmem>>
      %dma_wait3A_154 = tpu.memref_squeeze %dma_wait3A_153 : memref<1x128xi32, #tpu.memory_space<vmem>> -> memref<128xi32, #tpu.memory_space<vmem>>
      %dma_wait3A_155 = arith.constant 0 : i32
      %dma_wait3A_156 = arith.constant 0 : i32
      %dma_wait3A_157 = tpu.memref_slice %arg5[%dma_wait3A_155, %dma_wait3A_156] : memref<1000000x64xf32, #tpu.memory_space<hbm>> -> memref<1000000x64xf32, #tpu.memory_space<hbm>>
      tpu.wait_indirect_dma semaphore(%arg16 : memref<!tpu.dma_semaphore, #tpu.memory_space<semaphore_mem>>) src(%dma_wait3A_157 : memref<1000000x64xf32, #tpu.memory_space<hbm>>) dst(%arg9 : memref<128x64xf32, #tpu.memory_space<vmem>>)
      %add3A_158 = arith.constant 0 : i32
      %add3A_159 = arith.addi %mul3A_150, %add3A_158 : i32
      %dma_start3A_160 = arith.constant 0 : i32
      %dma_start3A_161 = tpu.memref_slice %arg8[%add3A_159, %dma_start3A_160] : memref<200x128xi32, #tpu.memory_space<vmem>> -> memref<1x128xi32, #tpu.memory_space<vmem>>
      %dma_start3A_162 = tpu.memref_squeeze %dma_start3A_161 : memref<1x128xi32, #tpu.memory_space<vmem>> -> memref<128xi32, #tpu.memory_space<vmem>>
      %dma_start3A_163 = arith.constant 0 : i32
      %dma_start3A_164 = arith.constant 0 : i32
      %dma_start3A_165 = tpu.memref_slice %arg15[%dma_start3A_163, %dma_start3A_164] : memref<4096x64xf32, #tpu.memory_space<vmem_shared>> -> memref<4096x64xf32, #tpu.memory_space<vmem_shared>>
      tpu.enqueue_indirect_dma source(%arg9 : memref<128x64xf32, #tpu.memory_space<vmem>>) target(%dma_start3A_165 : memref<4096x64xf32, #tpu.memory_space<vmem_shared>>) offsets(%dma_start3A_162 : memref<128xi32, #tpu.memory_space<vmem>>) semaphore(%arg21 : memref<!tpu.dma_semaphore, #tpu.memory_space<semaphore_mem>>) {add = true}
      %dma_wait3A_166 = arith.constant 0 : i32
      %dma_wait3A_167 = arith.constant 0 : i32
      %dma_wait3A_168 = tpu.memref_slice %arg7[%dma_wait3A_166, %dma_wait3A_167] : memref<200x128xi32, #tpu.memory_space<vmem>> -> memref<1x128xi32, #tpu.memory_space<vmem>>
      %dma_wait3A_169 = tpu.memref_squeeze %dma_wait3A_168 : memref<1x128xi32, #tpu.memory_space<vmem>> -> memref<128xi32, #tpu.memory_space<vmem>>
      %dma_wait3A_170 = arith.constant 0 : i32
      %dma_wait3A_171 = arith.constant 0 : i32
      %dma_wait3A_172 = tpu.memref_slice %arg5[%dma_wait3A_170, %dma_wait3A_171] : memref<1000000x64xf32, #tpu.memory_space<hbm>> -> memref<1000000x64xf32, #tpu.memory_space<hbm>>
      tpu.wait_indirect_dma semaphore(%arg17 : memref<!tpu.dma_semaphore, #tpu.memory_space<semaphore_mem>>) src(%dma_wait3A_172 : memref<1000000x64xf32, #tpu.memory_space<hbm>>) dst(%arg10 : memref<128x64xf32, #tpu.memory_space<vmem>>)
      %add3A_173 = arith.constant 1 : i32
      %add3A_174 = arith.addi %mul3A_150, %add3A_173 : i32
      %dma_start3A_175 = arith.constant 0 : i32
      %dma_start3A_176 = tpu.memref_slice %arg8[%add3A_174, %dma_start3A_175] : memref<200x128xi32, #tpu.memory_space<vmem>> -> memref<1x128xi32, #tpu.memory_space<vmem>>
      %dma_start3A_177 = tpu.memref_squeeze %dma_start3A_176 : memref<1x128xi32, #tpu.memory_space<vmem>> -> memref<128xi32, #tpu.memory_space<vmem>>
      %dma_start3A_178 = arith.constant 0 : i32
      %dma_start3A_179 = arith.constant 0 : i32
      %dma_start3A_180 = tpu.memref_slice %arg15[%dma_start3A_178, %dma_start3A_179] : memref<4096x64xf32, #tpu.memory_space<vmem_shared>> -> memref<4096x64xf32, #tpu.memory_space<vmem_shared>>
      tpu.enqueue_indirect_dma source(%arg10 : memref<128x64xf32, #tpu.memory_space<vmem>>) target(%dma_start3A_180 : memref<4096x64xf32, #tpu.memory_space<vmem_shared>>) offsets(%dma_start3A_177 : memref<128xi32, #tpu.memory_space<vmem>>) semaphore(%arg22 : memref<!tpu.dma_semaphore, #tpu.memory_space<semaphore_mem>>) {add = true}
      %dma_wait3A_181 = arith.constant 0 : i32
      %dma_wait3A_182 = arith.constant 0 : i32
      %dma_wait3A_183 = tpu.memref_slice %arg7[%dma_wait3A_181, %dma_wait3A_182] : memref<200x128xi32, #tpu.memory_space<vmem>> -> memref<1x128xi32, #tpu.memory_space<vmem>>
      %dma_wait3A_184 = tpu.memref_squeeze %dma_wait3A_183 : memref<1x128xi32, #tpu.memory_space<vmem>> -> memref<128xi32, #tpu.memory_space<vmem>>
      %dma_wait3A_185 = arith.constant 0 : i32
      %dma_wait3A_186 = arith.constant 0 : i32
      %dma_wait3A_187 = tpu.memref_slice %arg5[%dma_wait3A_185, %dma_wait3A_186] : memref<1000000x64xf32, #tpu.memory_space<hbm>> -> memref<1000000x64xf32, #tpu.memory_space<hbm>>
      tpu.wait_indirect_dma semaphore(%arg18 : memref<!tpu.dma_semaphore, #tpu.memory_space<semaphore_mem>>) src(%dma_wait3A_187 : memref<1000000x64xf32, #tpu.memory_space<hbm>>) dst(%arg11 : memref<128x64xf32, #tpu.memory_space<vmem>>)
      %add3A_188 = arith.constant 2 : i32
      %add3A_189 = arith.addi %mul3A_150, %add3A_188 : i32
      %dma_start3A_190 = arith.constant 0 : i32
      %dma_start3A_191 = tpu.memref_slice %arg8[%add3A_189, %dma_start3A_190] : memref<200x128xi32, #tpu.memory_space<vmem>> -> memref<1x128xi32, #tpu.memory_space<vmem>>
      %dma_start3A_192 = tpu.memref_squeeze %dma_start3A_191 : memref<1x128xi32, #tpu.memory_space<vmem>> -> memref<128xi32, #tpu.memory_space<vmem>>
      %dma_start3A_193 = arith.constant 0 : i32
      %dma_start3A_194 = arith.constant 0 : i32
      %dma_start3A_195 = tpu.memref_slice %arg15[%dma_start3A_193, %dma_start3A_194] : memref<4096x64xf32, #tpu.memory_space<vmem_shared>> -> memref<4096x64xf32, #tpu.memory_space<vmem_shared>>
      tpu.enqueue_indirect_dma source(%arg11 : memref<128x64xf32, #tpu.memory_space<vmem>>) target(%dma_start3A_195 : memref<4096x64xf32, #tpu.memory_space<vmem_shared>>) offsets(%dma_start3A_192 : memref<128xi32, #tpu.memory_space<vmem>>) semaphore(%arg23 : memref<!tpu.dma_semaphore, #tpu.memory_space<semaphore_mem>>) {add = true}
      %dma_wait3A_196 = arith.constant 0 : i32
      %dma_wait3A_197 = arith.constant 0 : i32
      %dma_wait3A_198 = tpu.memref_slice %arg7[%dma_wait3A_196, %dma_wait3A_197] : memref<200x128xi32, #tpu.memory_space<vmem>> -> memref<1x128xi32, #tpu.memory_space<vmem>>
      %dma_wait3A_199 = tpu.memref_squeeze %dma_wait3A_198 : memref<1x128xi32, #tpu.memory_space<vmem>> -> memref<128xi32, #tpu.memory_space<vmem>>
      %dma_wait3A_200 = arith.constant 0 : i32
      %dma_wait3A_201 = arith.constant 0 : i32
      %dma_wait3A_202 = tpu.memref_slice %arg5[%dma_wait3A_200, %dma_wait3A_201] : memref<1000000x64xf32, #tpu.memory_space<hbm>> -> memref<1000000x64xf32, #tpu.memory_space<hbm>>
      tpu.wait_indirect_dma semaphore(%arg19 : memref<!tpu.dma_semaphore, #tpu.memory_space<semaphore_mem>>) src(%dma_wait3A_202 : memref<1000000x64xf32, #tpu.memory_space<hbm>>) dst(%arg12 : memref<128x64xf32, #tpu.memory_space<vmem>>)
      %add3A_203 = arith.constant 3 : i32
      %add3A_204 = arith.addi %mul3A_150, %add3A_203 : i32
      %dma_start3A_205 = arith.constant 0 : i32
      %dma_start3A_206 = tpu.memref_slice %arg8[%add3A_204, %dma_start3A_205] : memref<200x128xi32, #tpu.memory_space<vmem>> -> memref<1x128xi32, #tpu.memory_space<vmem>>
      %dma_start3A_207 = tpu.memref_squeeze %dma_start3A_206 : memref<1x128xi32, #tpu.memory_space<vmem>> -> memref<128xi32, #tpu.memory_space<vmem>>
      %dma_start3A_208 = arith.constant 0 : i32
      %dma_start3A_209 = arith.constant 0 : i32
      %dma_start3A_210 = tpu.memref_slice %arg15[%dma_start3A_208, %dma_start3A_209] : memref<4096x64xf32, #tpu.memory_space<vmem_shared>> -> memref<4096x64xf32, #tpu.memory_space<vmem_shared>>
      tpu.enqueue_indirect_dma source(%arg12 : memref<128x64xf32, #tpu.memory_space<vmem>>) target(%dma_start3A_210 : memref<4096x64xf32, #tpu.memory_space<vmem_shared>>) offsets(%dma_start3A_207 : memref<128xi32, #tpu.memory_space<vmem>>) semaphore(%arg24 : memref<!tpu.dma_semaphore, #tpu.memory_space<semaphore_mem>>) {add = true}
      %dma_wait3A_211 = arith.constant 0 : i32
      %dma_wait3A_212 = arith.constant 0 : i32
      %dma_wait3A_213 = tpu.memref_slice %arg7[%dma_wait3A_211, %dma_wait3A_212] : memref<200x128xi32, #tpu.memory_space<vmem>> -> memref<1x128xi32, #tpu.memory_space<vmem>>
      %dma_wait3A_214 = tpu.memref_squeeze %dma_wait3A_213 : memref<1x128xi32, #tpu.memory_space<vmem>> -> memref<128xi32, #tpu.memory_space<vmem>>
      %dma_wait3A_215 = arith.constant 0 : i32
      %dma_wait3A_216 = arith.constant 0 : i32
      %dma_wait3A_217 = tpu.memref_slice %arg5[%dma_wait3A_215, %dma_wait3A_216] : memref<1000000x64xf32, #tpu.memory_space<hbm>> -> memref<1000000x64xf32, #tpu.memory_space<hbm>>
      tpu.wait_indirect_dma semaphore(%arg20 : memref<!tpu.dma_semaphore, #tpu.memory_space<semaphore_mem>>) src(%dma_wait3A_217 : memref<1000000x64xf32, #tpu.memory_space<hbm>>) dst(%arg13 : memref<128x64xf32, #tpu.memory_space<vmem>>)
      %add3A_218 = arith.constant 4 : i32
      %add3A_219 = arith.addi %mul3A_150, %add3A_218 : i32
      %dma_start3A_220 = arith.constant 0 : i32
      %dma_start3A_221 = tpu.memref_slice %arg8[%add3A_219, %dma_start3A_220] : memref<200x128xi32, #tpu.memory_space<vmem>> -> memref<1x128xi32, #tpu.memory_space<vmem>>
      %dma_start3A_222 = tpu.memref_squeeze %dma_start3A_221 : memref<1x128xi32, #tpu.memory_space<vmem>> -> memref<128xi32, #tpu.memory_space<vmem>>
      %dma_start3A_223 = arith.constant 0 : i32
      %dma_start3A_224 = arith.constant 0 : i32
      %dma_start3A_225 = tpu.memref_slice %arg15[%dma_start3A_223, %dma_start3A_224] : memref<4096x64xf32, #tpu.memory_space<vmem_shared>> -> memref<4096x64xf32, #tpu.memory_space<vmem_shared>>
      tpu.enqueue_indirect_dma source(%arg13 : memref<128x64xf32, #tpu.memory_space<vmem>>) target(%dma_start3A_225 : memref<4096x64xf32, #tpu.memory_space<vmem_shared>>) offsets(%dma_start3A_222 : memref<128xi32, #tpu.memory_space<vmem>>) semaphore(%arg25 : memref<!tpu.dma_semaphore, #tpu.memory_space<semaphore_mem>>) {add = true}
      %dma_wait3A_226 = arith.constant 0 : i32
      %dma_wait3A_227 = arith.constant 0 : i32
      %dma_wait3A_228 = tpu.memref_slice %arg8[%dma_wait3A_226, %dma_wait3A_227] : memref<200x128xi32, #tpu.memory_space<vmem>> -> memref<1x128xi32, #tpu.memory_space<vmem>>
      %dma_wait3A_229 = tpu.memref_squeeze %dma_wait3A_228 : memref<1x128xi32, #tpu.memory_space<vmem>> -> memref<128xi32, #tpu.memory_space<vmem>>
      %dma_wait3A_230 = arith.constant 0 : i32
      %dma_wait3A_231 = arith.constant 0 : i32
      %dma_wait3A_232 = tpu.memref_slice %arg15[%dma_wait3A_230, %dma_wait3A_231] : memref<4096x64xf32, #tpu.memory_space<vmem_shared>> -> memref<4096x64xf32, #tpu.memory_space<vmem_shared>>
      tpu.wait_indirect_dma semaphore(%arg21 : memref<!tpu.dma_semaphore, #tpu.memory_space<semaphore_mem>>) src(%arg9 : memref<128x64xf32, #tpu.memory_space<vmem>>) dst(%dma_wait3A_232 : memref<4096x64xf32, #tpu.memory_space<vmem_shared>>)
      %add3A_233 = arith.constant 5 : i32
      %add3A_234 = arith.addi %mul3A_150, %add3A_233 : i32
      %add3A_235 = arith.constant 0 : i32
      %add3A_236 = arith.addi %add3A_234, %add3A_235 : i32
      %dma_start3A_237 = arith.constant 0 : i32
      %dma_start3A_238 = tpu.memref_slice %arg7[%add3A_236, %dma_start3A_237] : memref<200x128xi32, #tpu.memory_space<vmem>> -> memref<1x128xi32, #tpu.memory_space<vmem>>
      %dma_start3A_239 = tpu.memref_squeeze %dma_start3A_238 : memref<1x128xi32, #tpu.memory_space<vmem>> -> memref<128xi32, #tpu.memory_space<vmem>>
      %dma_start3A_240 = arith.constant 0 : i32
      %dma_start3A_241 = arith.constant 0 : i32
      %dma_start3A_242 = tpu.memref_slice %arg5[%dma_start3A_240, %dma_start3A_241] : memref<1000000x64xf32, #tpu.memory_space<hbm>> -> memref<1000000x64xf32, #tpu.memory_space<hbm>>
      tpu.enqueue_indirect_dma source(%dma_start3A_242 : memref<1000000x64xf32, #tpu.memory_space<hbm>>) target(%arg9 : memref<128x64xf32, #tpu.memory_space<vmem>>) offsets(%dma_start3A_239 : memref<128xi32, #tpu.memory_space<vmem>>) semaphore(%arg16 : memref<!tpu.dma_semaphore, #tpu.memory_space<semaphore_mem>>)
      %dma_wait3A_243 = arith.constant 0 : i32
      %dma_wait3A_244 = arith.constant 0 : i32
      %dma_wait3A_245 = tpu.memref_slice %arg8[%dma_wait3A_243, %dma_wait3A_244] : memref<200x128xi32, #tpu.memory_space<vmem>> -> memref<1x128xi32, #tpu.memory_space<vmem>>
      %dma_wait3A_246 = tpu.memref_squeeze %dma_wait3A_245 : memref<1x128xi32, #tpu.memory_space<vmem>> -> memref<128xi32, #tpu.memory_space<vmem>>
      %dma_wait3A_247 = arith.constant 0 : i32
      %dma_wait3A_248 = arith.constant 0 : i32
      %dma_wait3A_249 = tpu.memref_slice %arg15[%dma_wait3A_247, %dma_wait3A_248] : memref<4096x64xf32, #tpu.memory_space<vmem_shared>> -> memref<4096x64xf32, #tpu.memory_space<vmem_shared>>
      tpu.wait_indirect_dma semaphore(%arg22 : memref<!tpu.dma_semaphore, #tpu.memory_space<semaphore_mem>>) src(%arg10 : memref<128x64xf32, #tpu.memory_space<vmem>>) dst(%dma_wait3A_249 : memref<4096x64xf32, #tpu.memory_space<vmem_shared>>)
      %add3A_250 = arith.constant 5 : i32
      %add3A_251 = arith.addi %mul3A_150, %add3A_250 : i32
      %add3A_252 = arith.constant 1 : i32
      %add3A_253 = arith.addi %add3A_251, %add3A_252 : i32
      %dma_start3A_254 = arith.constant 0 : i32
      %dma_start3A_255 = tpu.memref_slice %arg7[%add3A_253, %dma_start3A_254] : memref<200x128xi32, #tpu.memory_space<vmem>> -> memref<1x128xi32, #tpu.memory_space<vmem>>
      %dma_start3A_256 = tpu.memref_squeeze %dma_start3A_255 : memref<1x128xi32, #tpu.memory_space<vmem>> -> memref<128xi32, #tpu.memory_space<vmem>>
      %dma_start3A_257 = arith.constant 0 : i32
      %dma_start3A_258 = arith.constant 0 : i32
      %dma_start3A_259 = tpu.memref_slice %arg5[%dma_start3A_257, %dma_start3A_258] : memref<1000000x64xf32, #tpu.memory_space<hbm>> -> memref<1000000x64xf32, #tpu.memory_space<hbm>>
      tpu.enqueue_indirect_dma source(%dma_start3A_259 : memref<1000000x64xf32, #tpu.memory_space<hbm>>) target(%arg10 : memref<128x64xf32, #tpu.memory_space<vmem>>) offsets(%dma_start3A_256 : memref<128xi32, #tpu.memory_space<vmem>>) semaphore(%arg17 : memref<!tpu.dma_semaphore, #tpu.memory_space<semaphore_mem>>)
      %dma_wait3A_260 = arith.constant 0 : i32
      %dma_wait3A_261 = arith.constant 0 : i32
      %dma_wait3A_262 = tpu.memref_slice %arg8[%dma_wait3A_260, %dma_wait3A_261] : memref<200x128xi32, #tpu.memory_space<vmem>> -> memref<1x128xi32, #tpu.memory_space<vmem>>
      %dma_wait3A_263 = tpu.memref_squeeze %dma_wait3A_262 : memref<1x128xi32, #tpu.memory_space<vmem>> -> memref<128xi32, #tpu.memory_space<vmem>>
      %dma_wait3A_264 = arith.constant 0 : i32
      %dma_wait3A_265 = arith.constant 0 : i32
      %dma_wait3A_266 = tpu.memref_slice %arg15[%dma_wait3A_264, %dma_wait3A_265] : memref<4096x64xf32, #tpu.memory_space<vmem_shared>> -> memref<4096x64xf32, #tpu.memory_space<vmem_shared>>
      tpu.wait_indirect_dma semaphore(%arg23 : memref<!tpu.dma_semaphore, #tpu.memory_space<semaphore_mem>>) src(%arg11 : memref<128x64xf32, #tpu.memory_space<vmem>>) dst(%dma_wait3A_266 : memref<4096x64xf32, #tpu.memory_space<vmem_shared>>)
      %add3A_267 = arith.constant 5 : i32
      %add3A_268 = arith.addi %mul3A_150, %add3A_267 : i32
      %add3A_269 = arith.constant 2 : i32
      %add3A_270 = arith.addi %add3A_268, %add3A_269 : i32
      %dma_start3A_271 = arith.constant 0 : i32
      %dma_start3A_272 = tpu.memref_slice %arg7[%add3A_270, %dma_start3A_271] : memref<200x128xi32, #tpu.memory_space<vmem>> -> memref<1x128xi32, #tpu.memory_space<vmem>>
      %dma_start3A_273 = tpu.memref_squeeze %dma_start3A_272 : memref<1x128xi32, #tpu.memory_space<vmem>> -> memref<128xi32, #tpu.memory_space<vmem>>
      %dma_start3A_274 = arith.constant 0 : i32
      %dma_start3A_275 = arith.constant 0 : i32
      %dma_start3A_276 = tpu.memref_slice %arg5[%dma_start3A_274, %dma_start3A_275] : memref<1000000x64xf32, #tpu.memory_space<hbm>> -> memref<1000000x64xf32, #tpu.memory_space<hbm>>
      tpu.enqueue_indirect_dma source(%dma_start3A_276 : memref<1000000x64xf32, #tpu.memory_space<hbm>>) target(%arg11 : memref<128x64xf32, #tpu.memory_space<vmem>>) offsets(%dma_start3A_273 : memref<128xi32, #tpu.memory_space<vmem>>) semaphore(%arg18 : memref<!tpu.dma_semaphore, #tpu.memory_space<semaphore_mem>>)
      %dma_wait3A_277 = arith.constant 0 : i32
      %dma_wait3A_278 = arith.constant 0 : i32
      %dma_wait3A_279 = tpu.memref_slice %arg8[%dma_wait3A_277, %dma_wait3A_278] : memref<200x128xi32, #tpu.memory_space<vmem>> -> memref<1x128xi32, #tpu.memory_space<vmem>>
      %dma_wait3A_280 = tpu.memref_squeeze %dma_wait3A_279 : memref<1x128xi32, #tpu.memory_space<vmem>> -> memref<128xi32, #tpu.memory_space<vmem>>
      %dma_wait3A_281 = arith.constant 0 : i32
      %dma_wait3A_282 = arith.constant 0 : i32
      %dma_wait3A_283 = tpu.memref_slice %arg15[%dma_wait3A_281, %dma_wait3A_282] : memref<4096x64xf32, #tpu.memory_space<vmem_shared>> -> memref<4096x64xf32, #tpu.memory_space<vmem_shared>>
      tpu.wait_indirect_dma semaphore(%arg24 : memref<!tpu.dma_semaphore, #tpu.memory_space<semaphore_mem>>) src(%arg12 : memref<128x64xf32, #tpu.memory_space<vmem>>) dst(%dma_wait3A_283 : memref<4096x64xf32, #tpu.memory_space<vmem_shared>>)
      %add3A_284 = arith.constant 5 : i32
      %add3A_285 = arith.addi %mul3A_150, %add3A_284 : i32
      %add3A_286 = arith.constant 3 : i32
      %add3A_287 = arith.addi %add3A_285, %add3A_286 : i32
      %dma_start3A_288 = arith.constant 0 : i32
      %dma_start3A_289 = tpu.memref_slice %arg7[%add3A_287, %dma_start3A_288] : memref<200x128xi32, #tpu.memory_space<vmem>> -> memref<1x128xi32, #tpu.memory_space<vmem>>
      %dma_start3A_290 = tpu.memref_squeeze %dma_start3A_289 : memref<1x128xi32, #tpu.memory_space<vmem>> -> memref<128xi32, #tpu.memory_space<vmem>>
      %dma_start3A_291 = arith.constant 0 : i32
      %dma_start3A_292 = arith.constant 0 : i32
      %dma_start3A_293 = tpu.memref_slice %arg5[%dma_start3A_291, %dma_start3A_292] : memref<1000000x64xf32, #tpu.memory_space<hbm>> -> memref<1000000x64xf32, #tpu.memory_space<hbm>>
      tpu.enqueue_indirect_dma source(%dma_start3A_293 : memref<1000000x64xf32, #tpu.memory_space<hbm>>) target(%arg12 : memref<128x64xf32, #tpu.memory_space<vmem>>) offsets(%dma_start3A_290 : memref<128xi32, #tpu.memory_space<vmem>>) semaphore(%arg19 : memref<!tpu.dma_semaphore, #tpu.memory_space<semaphore_mem>>)
      %dma_wait3A_294 = arith.constant 0 : i32
      %dma_wait3A_295 = arith.constant 0 : i32
      %dma_wait3A_296 = tpu.memref_slice %arg8[%dma_wait3A_294, %dma_wait3A_295] : memref<200x128xi32, #tpu.memory_space<vmem>> -> memref<1x128xi32, #tpu.memory_space<vmem>>
      %dma_wait3A_297 = tpu.memref_squeeze %dma_wait3A_296 : memref<1x128xi32, #tpu.memory_space<vmem>> -> memref<128xi32, #tpu.memory_space<vmem>>
      %dma_wait3A_298 = arith.constant 0 : i32
      %dma_wait3A_299 = arith.constant 0 : i32
      %dma_wait3A_300 = tpu.memref_slice %arg15[%dma_wait3A_298, %dma_wait3A_299] : memref<4096x64xf32, #tpu.memory_space<vmem_shared>> -> memref<4096x64xf32, #tpu.memory_space<vmem_shared>>
      tpu.wait_indirect_dma semaphore(%arg25 : memref<!tpu.dma_semaphore, #tpu.memory_space<semaphore_mem>>) src(%arg13 : memref<128x64xf32, #tpu.memory_space<vmem>>) dst(%dma_wait3A_300 : memref<4096x64xf32, #tpu.memory_space<vmem_shared>>)
      %add3A_301 = arith.constant 5 : i32
      %add3A_302 = arith.addi %mul3A_150, %add3A_301 : i32
      %add3A_303 = arith.constant 4 : i32
      %add3A_304 = arith.addi %add3A_302, %add3A_303 : i32
      %dma_start3A_305 = arith.constant 0 : i32
      %dma_start3A_306 = tpu.memref_slice %arg7[%add3A_304, %dma_start3A_305] : memref<200x128xi32, #tpu.memory_space<vmem>> -> memref<1x128xi32, #tpu.memory_space<vmem>>
      %dma_start3A_307 = tpu.memref_squeeze %dma_start3A_306 : memref<1x128xi32, #tpu.memory_space<vmem>> -> memref<128xi32, #tpu.memory_space<vmem>>
      %dma_start3A_308 = arith.constant 0 : i32
      %dma_start3A_309 = arith.constant 0 : i32
      %dma_start3A_310 = tpu.memref_slice %arg5[%dma_start3A_308, %dma_start3A_309] : memref<1000000x64xf32, #tpu.memory_space<hbm>> -> memref<1000000x64xf32, #tpu.memory_space<hbm>>
      tpu.enqueue_indirect_dma source(%dma_start3A_310 : memref<1000000x64xf32, #tpu.memory_space<hbm>>) target(%arg13 : memref<128x64xf32, #tpu.memory_space<vmem>>) offsets(%dma_start3A_307 : memref<128xi32, #tpu.memory_space<vmem>>) semaphore(%arg20 : memref<!tpu.dma_semaphore, #tpu.memory_space<semaphore_mem>>)
    }
    %scan3A_43 = arith.constant 39 : i32
    %dma_wait3A = arith.constant 0 : i32
    %dma_wait3A_44 = arith.constant 0 : i32
    %dma_wait3A_45 = tpu.memref_slice %arg7[%dma_wait3A, %dma_wait3A_44] : memref<200x128xi32, #tpu.memory_space<vmem>> -> memref<1x128xi32, #tpu.memory_space<vmem>>
    %dma_wait3A_46 = tpu.memref_squeeze %dma_wait3A_45 : memref<1x128xi32, #tpu.memory_space<vmem>> -> memref<128xi32, #tpu.memory_space<vmem>>
    %dma_wait3A_47 = arith.constant 0 : i32
    %dma_wait3A_48 = arith.constant 0 : i32
    %dma_wait3A_49 = tpu.memref_slice %arg5[%dma_wait3A_47, %dma_wait3A_48] : memref<1000000x64xf32, #tpu.memory_space<hbm>> -> memref<1000000x64xf32, #tpu.memory_space<hbm>>
    tpu.wait_indirect_dma semaphore(%arg16 : memref<!tpu.dma_semaphore, #tpu.memory_space<semaphore_mem>>) src(%dma_wait3A_49 : memref<1000000x64xf32, #tpu.memory_space<hbm>>) dst(%arg9 : memref<128x64xf32, #tpu.memory_space<vmem>>)
    %dma_start3A_50 = arith.constant 195 : i32
    %dma_start3A_51 = arith.constant 0 : i32
    %dma_start3A_52 = tpu.memref_slice %arg8[%dma_start3A_50, %dma_start3A_51] : memref<200x128xi32, #tpu.memory_space<vmem>> -> memref<1x128xi32, #tpu.memory_space<vmem>>
    %dma_start3A_53 = tpu.memref_squeeze %dma_start3A_52 : memref<1x128xi32, #tpu.memory_space<vmem>> -> memref<128xi32, #tpu.memory_space<vmem>>
    %dma_start3A_54 = arith.constant 0 : i32
    %dma_start3A_55 = arith.constant 0 : i32
    %dma_start3A_56 = tpu.memref_slice %arg15[%dma_start3A_54, %dma_start3A_55] : memref<4096x64xf32, #tpu.memory_space<vmem_shared>> -> memref<4096x64xf32, #tpu.memory_space<vmem_shared>>
    tpu.enqueue_indirect_dma source(%arg9 : memref<128x64xf32, #tpu.memory_space<vmem>>) target(%dma_start3A_56 : memref<4096x64xf32, #tpu.memory_space<vmem_shared>>) offsets(%dma_start3A_53 : memref<128xi32, #tpu.memory_space<vmem>>) semaphore(%arg21 : memref<!tpu.dma_semaphore, #tpu.memory_space<semaphore_mem>>) {add = true}
    %dma_wait3A_57 = arith.constant 0 : i32
    %dma_wait3A_58 = arith.constant 0 : i32
    %dma_wait3A_59 = tpu.memref_slice %arg7[%dma_wait3A_57, %dma_wait3A_58] : memref<200x128xi32, #tpu.memory_space<vmem>> -> memref<1x128xi32, #tpu.memory_space<vmem>>
    %dma_wait3A_60 = tpu.memref_squeeze %dma_wait3A_59 : memref<1x128xi32, #tpu.memory_space<vmem>> -> memref<128xi32, #tpu.memory_space<vmem>>
    %dma_wait3A_61 = arith.constant 0 : i32
    %dma_wait3A_62 = arith.constant 0 : i32
    %dma_wait3A_63 = tpu.memref_slice %arg5[%dma_wait3A_61, %dma_wait3A_62] : memref<1000000x64xf32, #tpu.memory_space<hbm>> -> memref<1000000x64xf32, #tpu.memory_space<hbm>>
    tpu.wait_indirect_dma semaphore(%arg17 : memref<!tpu.dma_semaphore, #tpu.memory_space<semaphore_mem>>) src(%dma_wait3A_63 : memref<1000000x64xf32, #tpu.memory_space<hbm>>) dst(%arg10 : memref<128x64xf32, #tpu.memory_space<vmem>>)
    %dma_start3A_64 = arith.constant 196 : i32
    %dma_start3A_65 = arith.constant 0 : i32
    %dma_start3A_66 = tpu.memref_slice %arg8[%dma_start3A_64, %dma_start3A_65] : memref<200x128xi32, #tpu.memory_space<vmem>> -> memref<1x128xi32, #tpu.memory_space<vmem>>
    %dma_start3A_67 = tpu.memref_squeeze %dma_start3A_66 : memref<1x128xi32, #tpu.memory_space<vmem>> -> memref<128xi32, #tpu.memory_space<vmem>>
    %dma_start3A_68 = arith.constant 0 : i32
    %dma_start3A_69 = arith.constant 0 : i32
    %dma_start3A_70 = tpu.memref_slice %arg15[%dma_start3A_68, %dma_start3A_69] : memref<4096x64xf32, #tpu.memory_space<vmem_shared>> -> memref<4096x64xf32, #tpu.memory_space<vmem_shared>>
    tpu.enqueue_indirect_dma source(%arg10 : memref<128x64xf32, #tpu.memory_space<vmem>>) target(%dma_start3A_70 : memref<4096x64xf32, #tpu.memory_space<vmem_shared>>) offsets(%dma_start3A_67 : memref<128xi32, #tpu.memory_space<vmem>>) semaphore(%arg22 : memref<!tpu.dma_semaphore, #tpu.memory_space<semaphore_mem>>) {add = true}
    %dma_wait3A_71 = arith.constant 0 : i32
    %dma_wait3A_72 = arith.constant 0 : i32
    %dma_wait3A_73 = tpu.memref_slice %arg7[%dma_wait3A_71, %dma_wait3A_72] : memref<200x128xi32, #tpu.memory_space<vmem>> -> memref<1x128xi32, #tpu.memory_space<vmem>>
    %dma_wait3A_74 = tpu.memref_squeeze %dma_wait3A_73 : memref<1x128xi32, #tpu.memory_space<vmem>> -> memref<128xi32, #tpu.memory_space<vmem>>
    %dma_wait3A_75 = arith.constant 0 : i32
    %dma_wait3A_76 = arith.constant 0 : i32
    %dma_wait3A_77 = tpu.memref_slice %arg5[%dma_wait3A_75, %dma_wait3A_76] : memref<1000000x64xf32, #tpu.memory_space<hbm>> -> memref<1000000x64xf32, #tpu.memory_space<hbm>>
    tpu.wait_indirect_dma semaphore(%arg18 : memref<!tpu.dma_semaphore, #tpu.memory_space<semaphore_mem>>) src(%dma_wait3A_77 : memref<1000000x64xf32, #tpu.memory_space<hbm>>) dst(%arg11 : memref<128x64xf32, #tpu.memory_space<vmem>>)
    %dma_start3A_78 = arith.constant 197 : i32
    %dma_start3A_79 = arith.constant 0 : i32
    %dma_start3A_80 = tpu.memref_slice %arg8[%dma_start3A_78, %dma_start3A_79] : memref<200x128xi32, #tpu.memory_space<vmem>> -> memref<1x128xi32, #tpu.memory_space<vmem>>
    %dma_start3A_81 = tpu.memref_squeeze %dma_start3A_80 : memref<1x128xi32, #tpu.memory_space<vmem>> -> memref<128xi32, #tpu.memory_space<vmem>>
    %dma_start3A_82 = arith.constant 0 : i32
    %dma_start3A_83 = arith.constant 0 : i32
    %dma_start3A_84 = tpu.memref_slice %arg15[%dma_start3A_82, %dma_start3A_83] : memref<4096x64xf32, #tpu.memory_space<vmem_shared>> -> memref<4096x64xf32, #tpu.memory_space<vmem_shared>>
    tpu.enqueue_indirect_dma source(%arg11 : memref<128x64xf32, #tpu.memory_space<vmem>>) target(%dma_start3A_84 : memref<4096x64xf32, #tpu.memory_space<vmem_shared>>) offsets(%dma_start3A_81 : memref<128xi32, #tpu.memory_space<vmem>>) semaphore(%arg23 : memref<!tpu.dma_semaphore, #tpu.memory_space<semaphore_mem>>) {add = true}
    %dma_wait3A_85 = arith.constant 0 : i32
    %dma_wait3A_86 = arith.constant 0 : i32
    %dma_wait3A_87 = tpu.memref_slice %arg7[%dma_wait3A_85, %dma_wait3A_86] : memref<200x128xi32, #tpu.memory_space<vmem>> -> memref<1x128xi32, #tpu.memory_space<vmem>>
    %dma_wait3A_88 = tpu.memref_squeeze %dma_wait3A_87 : memref<1x128xi32, #tpu.memory_space<vmem>> -> memref<128xi32, #tpu.memory_space<vmem>>
    %dma_wait3A_89 = arith.constant 0 : i32
    %dma_wait3A_90 = arith.constant 0 : i32
    %dma_wait3A_91 = tpu.memref_slice %arg5[%dma_wait3A_89, %dma_wait3A_90] : memref<1000000x64xf32, #tpu.memory_space<hbm>> -> memref<1000000x64xf32, #tpu.memory_space<hbm>>
    tpu.wait_indirect_dma semaphore(%arg19 : memref<!tpu.dma_semaphore, #tpu.memory_space<semaphore_mem>>) src(%dma_wait3A_91 : memref<1000000x64xf32, #tpu.memory_space<hbm>>) dst(%arg12 : memref<128x64xf32, #tpu.memory_space<vmem>>)
    %dma_start3A_92 = arith.constant 198 : i32
    %dma_start3A_93 = arith.constant 0 : i32
    %dma_start3A_94 = tpu.memref_slice %arg8[%dma_start3A_92, %dma_start3A_93] : memref<200x128xi32, #tpu.memory_space<vmem>> -> memref<1x128xi32, #tpu.memory_space<vmem>>
    %dma_start3A_95 = tpu.memref_squeeze %dma_start3A_94 : memref<1x128xi32, #tpu.memory_space<vmem>> -> memref<128xi32, #tpu.memory_space<vmem>>
    %dma_start3A_96 = arith.constant 0 : i32
    %dma_start3A_97 = arith.constant 0 : i32
    %dma_start3A_98 = tpu.memref_slice %arg15[%dma_start3A_96, %dma_start3A_97] : memref<4096x64xf32, #tpu.memory_space<vmem_shared>> -> memref<4096x64xf32, #tpu.memory_space<vmem_shared>>
    tpu.enqueue_indirect_dma source(%arg12 : memref<128x64xf32, #tpu.memory_space<vmem>>) target(%dma_start3A_98 : memref<4096x64xf32, #tpu.memory_space<vmem_shared>>) offsets(%dma_start3A_95 : memref<128xi32, #tpu.memory_space<vmem>>) semaphore(%arg24 : memref<!tpu.dma_semaphore, #tpu.memory_space<semaphore_mem>>) {add = true}
    %dma_wait3A_99 = arith.constant 0 : i32
    %dma_wait3A_100 = arith.constant 0 : i32
    %dma_wait3A_101 = tpu.memref_slice %arg7[%dma_wait3A_99, %dma_wait3A_100] : memref<200x128xi32, #tpu.memory_space<vmem>> -> memref<1x128xi32, #tpu.memory_space<vmem>>
    %dma_wait3A_102 = tpu.memref_squeeze %dma_wait3A_101 : memref<1x128xi32, #tpu.memory_space<vmem>> -> memref<128xi32, #tpu.memory_space<vmem>>
    %dma_wait3A_103 = arith.constant 0 : i32
    %dma_wait3A_104 = arith.constant 0 : i32
    %dma_wait3A_105 = tpu.memref_slice %arg5[%dma_wait3A_103, %dma_wait3A_104] : memref<1000000x64xf32, #tpu.memory_space<hbm>> -> memref<1000000x64xf32, #tpu.memory_space<hbm>>
    tpu.wait_indirect_dma semaphore(%arg20 : memref<!tpu.dma_semaphore, #tpu.memory_space<semaphore_mem>>) src(%dma_wait3A_105 : memref<1000000x64xf32, #tpu.memory_space<hbm>>) dst(%arg13 : memref<128x64xf32, #tpu.memory_space<vmem>>)
    %dma_start3A_106 = arith.constant 199 : i32
    %dma_start3A_107 = arith.constant 0 : i32
    %dma_start3A_108 = tpu.memref_slice %arg8[%dma_start3A_106, %dma_start3A_107] : memref<200x128xi32, #tpu.memory_space<vmem>> -> memref<1x128xi32, #tpu.memory_space<vmem>>
    %dma_start3A_109 = tpu.memref_squeeze %dma_start3A_108 : memref<1x128xi32, #tpu.memory_space<vmem>> -> memref<128xi32, #tpu.memory_space<vmem>>
    %dma_start3A_110 = arith.constant 0 : i32
    %dma_start3A_111 = arith.constant 0 : i32
    %dma_start3A_112 = tpu.memref_slice %arg15[%dma_start3A_110, %dma_start3A_111] : memref<4096x64xf32, #tpu.memory_space<vmem_shared>> -> memref<4096x64xf32, #tpu.memory_space<vmem_shared>>
    tpu.enqueue_indirect_dma source(%arg13 : memref<128x64xf32, #tpu.memory_space<vmem>>) target(%dma_start3A_112 : memref<4096x64xf32, #tpu.memory_space<vmem_shared>>) offsets(%dma_start3A_109 : memref<128xi32, #tpu.memory_space<vmem>>) semaphore(%arg25 : memref<!tpu.dma_semaphore, #tpu.memory_space<semaphore_mem>>) {add = true}
    %dma_wait3A_113 = arith.constant 0 : i32
    %dma_wait3A_114 = arith.constant 0 : i32
    %dma_wait3A_115 = tpu.memref_slice %arg8[%dma_wait3A_113, %dma_wait3A_114] : memref<200x128xi32, #tpu.memory_space<vmem>> -> memref<1x128xi32, #tpu.memory_space<vmem>>
    %dma_wait3A_116 = tpu.memref_squeeze %dma_wait3A_115 : memref<1x128xi32, #tpu.memory_space<vmem>> -> memref<128xi32, #tpu.memory_space<vmem>>
    %dma_wait3A_117 = arith.constant 0 : i32
    %dma_wait3A_118 = arith.constant 0 : i32
    %dma_wait3A_119 = tpu.memref_slice %arg15[%dma_wait3A_117, %dma_wait3A_118] : memref<4096x64xf32, #tpu.memory_space<vmem_shared>> -> memref<4096x64xf32, #tpu.memory_space<vmem_shared>>
    tpu.wait_indirect_dma semaphore(%arg21 : memref<!tpu.dma_semaphore, #tpu.memory_space<semaphore_mem>>) src(%arg9 : memref<128x64xf32, #tpu.memory_space<vmem>>) dst(%dma_wait3A_119 : memref<4096x64xf32, #tpu.memory_space<vmem_shared>>)
    %dma_wait3A_120 = arith.constant 0 : i32
    %dma_wait3A_121 = arith.constant 0 : i32
    %dma_wait3A_122 = tpu.memref_slice %arg8[%dma_wait3A_120, %dma_wait3A_121] : memref<200x128xi32, #tpu.memory_space<vmem>> -> memref<1x128xi32, #tpu.memory_space<vmem>>
    %dma_wait3A_123 = tpu.memref_squeeze %dma_wait3A_122 : memref<1x128xi32, #tpu.memory_space<vmem>> -> memref<128xi32, #tpu.memory_space<vmem>>
    %dma_wait3A_124 = arith.constant 0 : i32
    %dma_wait3A_125 = arith.constant 0 : i32
    %dma_wait3A_126 = tpu.memref_slice %arg15[%dma_wait3A_124, %dma_wait3A_125] : memref<4096x64xf32, #tpu.memory_space<vmem_shared>> -> memref<4096x64xf32, #tpu.memory_space<vmem_shared>>
    tpu.wait_indirect_dma semaphore(%arg22 : memref<!tpu.dma_semaphore, #tpu.memory_space<semaphore_mem>>) src(%arg10 : memref<128x64xf32, #tpu.memory_space<vmem>>) dst(%dma_wait3A_126 : memref<4096x64xf32, #tpu.memory_space<vmem_shared>>)
    %dma_wait3A_127 = arith.constant 0 : i32
    %dma_wait3A_128 = arith.constant 0 : i32
    %dma_wait3A_129 = tpu.memref_slice %arg8[%dma_wait3A_127, %dma_wait3A_128] : memref<200x128xi32, #tpu.memory_space<vmem>> -> memref<1x128xi32, #tpu.memory_space<vmem>>
    %dma_wait3A_130 = tpu.memref_squeeze %dma_wait3A_129 : memref<1x128xi32, #tpu.memory_space<vmem>> -> memref<128xi32, #tpu.memory_space<vmem>>
    %dma_wait3A_131 = arith.constant 0 : i32
    %dma_wait3A_132 = arith.constant 0 : i32
    %dma_wait3A_133 = tpu.memref_slice %arg15[%dma_wait3A_131, %dma_wait3A_132] : memref<4096x64xf32, #tpu.memory_space<vmem_shared>> -> memref<4096x64xf32, #tpu.memory_space<vmem_shared>>
    tpu.wait_indirect_dma semaphore(%arg23 : memref<!tpu.dma_semaphore, #tpu.memory_space<semaphore_mem>>) src(%arg11 : memref<128x64xf32, #tpu.memory_space<vmem>>) dst(%dma_wait3A_133 : memref<4096x64xf32, #tpu.memory_space<vmem_shared>>)
    %dma_wait3A_134 = arith.constant 0 : i32
    %dma_wait3A_135 = arith.constant 0 : i32
    %dma_wait3A_136 = tpu.memref_slice %arg8[%dma_wait3A_134, %dma_wait3A_135] : memref<200x128xi32, #tpu.memory_space<vmem>> -> memref<1x128xi32, #tpu.memory_space<vmem>>
    %dma_wait3A_137 = tpu.memref_squeeze %dma_wait3A_136 : memref<1x128xi32, #tpu.memory_space<vmem>> -> memref<128xi32, #tpu.memory_space<vmem>>
    %dma_wait3A_138 = arith.constant 0 : i32
    %dma_wait3A_139 = arith.constant 0 : i32
    %dma_wait3A_140 = tpu.memref_slice %arg15[%dma_wait3A_138, %dma_wait3A_139] : memref<4096x64xf32, #tpu.memory_space<vmem_shared>> -> memref<4096x64xf32, #tpu.memory_space<vmem_shared>>
    tpu.wait_indirect_dma semaphore(%arg24 : memref<!tpu.dma_semaphore, #tpu.memory_space<semaphore_mem>>) src(%arg12 : memref<128x64xf32, #tpu.memory_space<vmem>>) dst(%dma_wait3A_140 : memref<4096x64xf32, #tpu.memory_space<vmem_shared>>)
    %dma_wait3A_141 = arith.constant 0 : i32
    %dma_wait3A_142 = arith.constant 0 : i32
    %dma_wait3A_143 = tpu.memref_slice %arg8[%dma_wait3A_141, %dma_wait3A_142] : memref<200x128xi32, #tpu.memory_space<vmem>> -> memref<1x128xi32, #tpu.memory_space<vmem>>
    %dma_wait3A_144 = tpu.memref_squeeze %dma_wait3A_143 : memref<1x128xi32, #tpu.memory_space<vmem>> -> memref<128xi32, #tpu.memory_space<vmem>>
    %dma_wait3A_145 = arith.constant 0 : i32
    %dma_wait3A_146 = arith.constant 0 : i32
    %dma_wait3A_147 = tpu.memref_slice %arg15[%dma_wait3A_145, %dma_wait3A_146] : memref<4096x64xf32, #tpu.memory_space<vmem_shared>> -> memref<4096x64xf32, #tpu.memory_space<vmem_shared>>
    tpu.wait_indirect_dma semaphore(%arg25 : memref<!tpu.dma_semaphore, #tpu.memory_space<semaphore_mem>>) src(%arg13 : memref<128x64xf32, #tpu.memory_space<vmem>>) dst(%dma_wait3A_147 : memref<4096x64xf32, #tpu.memory_space<vmem_shared>>)
    "tpu.region"() ({
      %run_scoped3A = tpu.sem_alloc : memref<!tpu.dma_semaphore, #tpu.memory_space<semaphore_mem>>
      %dma_start3A_148 = arith.constant 0 : i32
      %dma_start3A_149 = tpu.memref_slice %arg15[%mul3A_4, %dma_start3A_148] : memref<4096x64xf32, #tpu.memory_space<vmem_shared>> -> memref<128x64xf32, #tpu.memory_space<vmem_shared>>
      %dma_start3A_150 = arith.constant 0 : i32
      %dma_start3A_151 = tpu.memref_slice %arg15[%mul3A_4, %dma_start3A_150] : memref<4096x64xf32, #tpu.memory_space<vmem_shared>> -> memref<128x64xf32, #tpu.memory_space<vmem_shared>>
      tpu.enqueue_dma source(%dma_start3A_151 : memref<128x64xf32, #tpu.memory_space<vmem_shared>>) target(%arg14 : memref<128x64xf32, #tpu.memory_space<vmem>>) target_semaphore(%run_scoped3A : memref<!tpu.dma_semaphore, #tpu.memory_space<semaphore_mem>>)
      %dma_wait3A_152 = arith.constant 0 : i32
      %dma_wait3A_153 = tpu.memref_slice %arg15[%mul3A_4, %dma_wait3A_152] : memref<4096x64xf32, #tpu.memory_space<vmem_shared>> -> memref<128x64xf32, #tpu.memory_space<vmem_shared>>
      %dma_wait3A_154 = arith.constant 0 : i32
      %dma_wait3A_155 = tpu.memref_slice %arg15[%mul3A_4, %dma_wait3A_154] : memref<4096x64xf32, #tpu.memory_space<vmem_shared>> -> memref<128x64xf32, #tpu.memory_space<vmem_shared>>
      tpu.wait_dma2 semaphore(%run_scoped3A : memref<!tpu.dma_semaphore, #tpu.memory_space<semaphore_mem>>) src(%dma_wait3A_155 : memref<128x64xf32, #tpu.memory_space<vmem_shared>>) dst(%arg14 : memref<128x64xf32, #tpu.memory_space<vmem>>)
      tpu.yield
    }) : () -> ()
    "tpu.region"() ({
      %run_scoped3A = tpu.sem_alloc : memref<!tpu.dma_semaphore, #tpu.memory_space<semaphore_mem>>
      %dma_start3A_148 = arith.constant 0 : i32
      %dma_start3A_149 = tpu.memref_slice %arg6[%mul3A_4, %dma_start3A_148] : memref<4096x64xf32, #tpu.memory_space<hbm>> -> memref<128x64xf32, #tpu.memory_space<hbm>>
      %dma_start3A_150 = arith.constant 0 : i32
      %dma_start3A_151 = tpu.memref_slice %arg6[%mul3A_4, %dma_start3A_150] : memref<4096x64xf32, #tpu.memory_space<hbm>> -> memref<128x64xf32, #tpu.memory_space<hbm>>
      tpu.enqueue_dma source(%arg14 : memref<128x64xf32, #tpu.memory_space<vmem>>) target(%dma_start3A_151 : memref<128x64xf32, #tpu.memory_space<hbm>>) target_semaphore(%run_scoped3A : memref<!tpu.dma_semaphore, #tpu.memory_space<semaphore_mem>>)
      %dma_wait3A_152 = arith.constant 0 : i32
      %dma_wait3A_153 = tpu.memref_slice %arg6[%mul3A_4, %dma_wait3A_152] : memref<4096x64xf32, #tpu.memory_space<hbm>> -> memref<128x64xf32, #tpu.memory_space<hbm>>
      %dma_wait3A_154 = arith.constant 0 : i32
      %dma_wait3A_155 = tpu.memref_slice %arg6[%mul3A_4, %dma_wait3A_154] : memref<4096x64xf32, #tpu.memory_space<hbm>> -> memref<128x64xf32, #tpu.memory_space<hbm>>
      tpu.wait_dma2 semaphore(%run_scoped3A : memref<!tpu.dma_semaphore, #tpu.memory_space<semaphore_mem>>) src(%arg14 : memref<128x64xf32, #tpu.memory_space<vmem>>) dst(%dma_wait3A_155 : memref<128x64xf32, #tpu.memory_space<hbm>>)
      tpu.yield
    }) : () -> ()
    return
  }
}

module attributes {stable_mosaic.version = 14 : i64} {
  func.func @body(%arg0: i32, %arg1: memref<512x64xf32, #tpu.memory_space<vmem>>, %arg2: memref<128x64xf32, #tpu.memory_space<vmem>>, %arg3: memref<1x128xf32, #tpu.memory_space<vmem>>, %arg4: memref<1000x128xf32, #tpu.memory_space<vmem>>, %arg5: memref<1x1000xf32, #tpu.memory_space<vmem>>, %arg6: memref<512x1000xf32, #tpu.memory_space<vmem>>) attributes {dimension_semantics = [#tpu.dimension_semantics<arbitrary>], iteration_bounds = array<i64: 8>, scalar_prefetch = 0 : i64, scratch_operands = 0 : i64, tpu.core_type = #tpu.core_type<tc>, window_params = [{transform_indices = @transform_0, window_bounds = array<i64: 512, 64>}, {pipeline_mode = #tpu.pipeline_mode<synchronous>, transform_indices = @transform_1, window_bounds = array<i64: 128, 64>}, {pipeline_mode = #tpu.pipeline_mode<synchronous>, transform_indices = @transform_2, window_bounds = array<i64: 1, 128>}, {pipeline_mode = #tpu.pipeline_mode<synchronous>, transform_indices = @transform_3, window_bounds = array<i64: 1000, 128>}, {pipeline_mode = #tpu.pipeline_mode<synchronous>, transform_indices = @transform_4, window_bounds = array<i64: 1, 1000>}, {transform_indices = @transform_5, window_bounds = array<i64: 512, 1000>}]} {
    %get3A = arith.constant 0 : index
    %get3A_0 = arith.constant 0 : index
    %get3A_1 = vector.load %arg1[%get3A, %get3A_0] : memref<512x64xf32, #tpu.memory_space<vmem>>, vector<512x64xf32>
    %mul3A = arith.constant 2.44140625E-4 : f32
    %mul3A_2 = vector.broadcast %mul3A : f32 to vector<512x64xf32>
    %mul3A_3 = arith.mulf %get3A_1, %mul3A_2 : vector<512x64xf32>
    %get3A_4 = arith.constant 0 : index
    %get3A_5 = arith.constant 0 : index
    %get3A_6 = vector.load %arg2[%get3A_4, %get3A_5] : memref<128x64xf32, #tpu.memory_space<vmem>>, vector<128x64xf32>
    %dot_general3A = arith.constant dense<0.000000e+00> : vector<512x128xf32>
    %dot_general3A_7 = tpu.matmul %mul3A_3, %get3A_6, %dot_general3A {dimension_numbers = #tpu.dot_dimension_numbers<[1], [1], [0], [0], [0, 0, 1, 0], [], []>, transpose_lhs_hint = false} : vector<512x64xf32>, vector<128x64xf32>, vector<512x128xf32> -> vector<512x128xf32>
    %get3A_8 = arith.constant 0 : index
    %get3A_9 = arith.constant 0 : index
    %get3A_10 = vector.load %arg3[%get3A_8, %get3A_9] : memref<1x128xf32, #tpu.memory_space<vmem>>, vector<1x128xf32>
    %add3A = vector.broadcast %get3A_10 : vector<1x128xf32> to vector<512x128xf32>
    %add3A_11 = arith.addf %dot_general3A_7, %add3A : vector<512x128xf32>
    %max3A = arith.constant 0.000000e+00 : f32
    %max3A_12 = vector.broadcast %max3A : f32 to vector<512x128xf32>
    %max3A_13 = arith.maximumf %add3A_11, %max3A_12 : vector<512x128xf32>
    %get3A_14 = arith.constant 0 : index
    %get3A_15 = arith.constant 0 : index
    %get3A_16 = vector.load %arg4[%get3A_14, %get3A_15] : memref<1000x128xf32, #tpu.memory_space<vmem>>, vector<1000x128xf32>
    %dot_general3A_17 = arith.constant dense<0.000000e+00> : vector<512x1000xf32>
    %dot_general3A_18 = tpu.matmul %max3A_13, %get3A_16, %dot_general3A_17 {dimension_numbers = #tpu.dot_dimension_numbers<[1], [1], [0], [0], [0, 0, 1, 0], [], []>, transpose_lhs_hint = false} : vector<512x128xf32>, vector<1000x128xf32>, vector<512x1000xf32> -> vector<512x1000xf32>
    %get3A_19 = arith.constant 0 : index
    %get3A_20 = arith.constant 0 : index
    %get3A_21 = vector.load %arg5[%get3A_19, %get3A_20] : memref<1x1000xf32, #tpu.memory_space<vmem>>, vector<1x1000xf32>
    %add3A_22 = vector.broadcast %get3A_21 : vector<1x1000xf32> to vector<512x1000xf32>
    %add3A_23 = arith.addf %dot_general3A_18, %add3A_22 : vector<512x1000xf32>
    %swap3A = arith.constant 0 : index
    %swap3A_24 = arith.constant 0 : index
    %swap3A_25 = vector.load %arg6[%swap3A, %swap3A_24] : memref<512x1000xf32, #tpu.memory_space<vmem>>, vector<512x1000xf32>
    tpu.vector_store %arg6[%swap3A, %swap3A_24], %add3A_23 {strides = array<i32>} : memref<512x1000xf32, #tpu.memory_space<vmem>>, vector<512x1000xf32>,
    return
  }
  func.func @transform_0(%arg0: i32) -> (i32, i32) {
    %c0_i32 = arith.constant 0 : i32
    %c0_i32_0 = arith.constant 0 : i32
    return %arg0, %c0_i32 : i32, i32
  }
  func.func @transform_1(%arg0: i32) -> (i32, i32) {
    %c0_i32 = arith.constant 0 : i32
    %c0_i32_0 = arith.constant 0 : i32
    %c0_i32_1 = arith.constant 0 : i32
    return %c0_i32, %c0_i32_0 : i32, i32
  }
  func.func @transform_2(%arg0: i32) -> (i32, i32) {
    %c0_i32 = arith.constant 0 : i32
    %c0_i32_0 = arith.constant 0 : i32
    %c0_i32_1 = arith.constant 0 : i32
    return %c0_i32, %c0_i32_0 : i32, i32
  }
  func.func @transform_3(%arg0: i32) -> (i32, i32) {
    %c0_i32 = arith.constant 0 : i32
    %c0_i32_0 = arith.constant 0 : i32
    %c0_i32_1 = arith.constant 0 : i32
    return %c0_i32, %c0_i32_0 : i32, i32
  }
  func.func @transform_4(%arg0: i32) -> (i32, i32) {
    %c0_i32 = arith.constant 0 : i32
    %c0_i32_0 = arith.constant 0 : i32
    %c0_i32_1 = arith.constant 0 : i32
    return %c0_i32, %c0_i32_0 : i32, i32
  }
  func.func @transform_5(%arg0: i32) -> (i32, i32) {
    %c0_i32 = arith.constant 0 : i32
    %c0_i32_0 = arith.constant 0 : i32
    return %arg0, %c0_i32 : i32, i32
  }
}

</mosaic_0001>

<sc_bundles>
// kernel: kernel.4.cloned.1.call-start
scs
__scs_entry_jumppad:
0x0: {  	(pc) =	sbr.rel $0x88, $3  }
0x1: {  	(tag) =	ssettag $0x0;
	lr =	simm.s32 $0x1  }
0x2: {  	[smem:$0x3F9B] =	sst lr;
	_ =	strace $0xD0000000  }
0x3: {  	_ = 	snop  }
0x4: {  	_ = 	snop  }
0x5: {  	_ = 	snop  }
0x6: {  	_ = 	snop  }
0x7: {  	_ = 	snop  }
__scs_overlays_trampoline_lowered:
0x8: {  	[smem:$0x3FAA] =	sst s0  }
0x9: {  	[smem:$0x3FAB] =	sst s1  }
0xa: {  	[smem:$0x3FAC] =	sst s2  }
0xb: {  	[smem:$0x3FAD] =	sst s3  }
0xc: {  	[smem:$0x3FAE] =	sst s4  }
0xd: {  	[smem:$0x3FAF] =	sst s5  }
0xe: {  	[smem:$0x3FB0] =	sst s6  }
0xf: {  	[smem:$0x3FB1] =	sst s7  }
0x10: {  	[smem:$0x3FB2] =	sst s8  }
0x11: {  	[smem:$0x3FB3] =	sst s9;
	s0 =	simm.s32 @!p0 $0x0  }
0x12: {  	s1 =	sld [smem:$0x3F99];
	s0 =	simm.s32 @p0 $0x1  }
0x13: {  	[smem:$0x3FB4] =	sst s0;
	s0 =	simm.s32 @!p1 $0x0  }
0x14: {  	s2 =	sld [smem:$0x3F98];
	s0 =	simm.s32 @p1 $0x1  }
0x15: {  	[smem:$0x3FB5] =	sst s0;
	s0 =	simm.s32 @!p2 $0x0  }
0x16: {  	s3 =	sld [smem:$0x3FDB];
	s0 =	simm.s32 @p2 $0x1  }
0x17: {  	s4 =	simm.s32 $0x1BF5;
	[smem:$0x3FB7] =	sst s0  }
0x18: {  	s0 =	sld [smem:$0x3F9A];
	_ =	swait.ge [sflag:s4], $0x0  }
0x19: {  	s7 =	sld [smem:$0x3F9B]  }
0x1a: {  	s8 =	sadd.s32 $0xFFFFE003, lr  }
0x1b: {  	s9 =	sadd.s32 $0xFFFFFEF7, lr;
	s5 =	simm.s32 $0xFFFFFFFF;
	p2 =	slt.u32 s8, $0xFFFFF086  }
0x1c: {  	p1 =	slt.u32 s9, $0xF7A;
	s5 =	simm.s32 @!p2 $0x0  }
0x1d: {  	s5 =	simm.s32 @p1 $0x1;
	p0 =	seq.s32 s7, s2  }
0x1e: {  	s7 =	smul.u32 @!p0 $0xF7A, s2;
	p2 =	seq.s32 @!p0 s5, $0x0  }
0x1f: {  	s9 =	smul.u32 $0xF7A, s1;
	s8 =	simm.s32 @!p0 $0x1BF5;
	p2 =	por !p2, p0  }
0x20: {  	[sflag:s8] =	ssyncset.s32 @!p0 $0xFFFFF086;
	s6 =	sadd.s32 @!p0 s3, s7;
	s7 =	simm.s32 @!p0 $0x108  }
0x21: {  	s3 =	sadd.s32 s3, s9;
	s6 =	sadd.s32 @!p0 $0x88, s6;
	s7 =	simm.s32 @p2 $0x1082  }
0x22: {  	[simem:s7], [sflag:s8] =	dma.local @!p0 [hbm:s6], $0xF7A  }
0x23: {  	s9 =	sor.u32 $0xD0000000, s2;
	s6 =	simm.s32 $0x108;
	_ =	swait.ge @!p0 [sflag:s8], $0x0  }
0x24: {  	s3 =	sadd.s32 $0x88, s3;
	s6 =	simm.s32 @!p1 $0x1082;
	[sflag:s4] =	ssyncset.s32 $0xFFFFF086  }
0x25: {  	[simem:s6], [sflag:s4] =	dma.local [hbm:s3], $0xF7A  }
0x26: {  	[smem:$0x3F9B] =	sst s1;
	(tag) =	ssettag s2;
	_ =	strace s9  }
0x27: {  	s1 =	sld [smem:$0x3FAB]  }
0x28: {  	s2 =	sld [smem:$0x3FAC]  }
0x29: {  	s4 =	sld [smem:$0x3FAE]  }
0x2a: {  	p0 =	seq.s32 s5, $0x0;
	s5 =	sld [smem:$0x3FAF]  }
0x2b: {  	s6 =	sld [smem:$0x3FB0]  }
0x2c: {  	s7 =	sld [smem:$0x3FB1]  }
0x2d: {  	s3 =	simm.s32 $0x108;
	s8 =	sld [smem:$0x3FB2]  }
0x2e: {  	s3 =	simm.s32 @!p0 $0x1082;
	s9 =	sld [smem:$0x3FB3]  }
0x2f: {  	lr =	sadd.s32 s0, s3;
	s0 =	sld [smem:$0x3FAA]  }
0x30: {  	s3 =	sld [smem:$0x3FAD]  }
0x31: {  	[smem:$0x3FB6] =	sst s10  }
0x32: {  	s10 =	sld [smem:$0x3FB4];
	_ =	sdelay $0x3  }
0x33: {  	p0 =	seq.s32 s10, $0x1;
	s10 =	sld [smem:$0x3FB6];
	_ =	sdelay $0x3  }
0x34: {  	[smem:$0x3FB6] =	sst s10  }
0x35: {  	s10 =	sld [smem:$0x3FB5];
	_ =	sdelay $0x3  }
0x36: {  	p1 =	seq.s32 s10, $0x1;
	s10 =	sld [smem:$0x3FB6];
	_ =	sdelay $0x3  }
0x37: {  	[smem:$0x3FB6] =	sst s10  }
0x38: {  	s10 =	sld [smem:$0x3FB7]  }
0x39: {  	_ = 	snop;
	(pc) =	sbr.ind lr, $3  }
0x3a: {  	_ = 	snop  }
0x3b: {  	_ = 	snop  }
0x3c: {  	p2 =	seq.s32 s10, $0x1;
	s10 =	sld [smem:$0x3FB6]  }
0x3d: {  	_ =	shalt  }
0x3e: {  	_ =	shalt  }
0x3f: {  	_ =	shalt  }
0x40: {  	_ =	shalt  }
0x41: {  	_ =	shalt  }
0x42: {  	_ =	shalt  }
0x43: {  	_ =	shalt  }
0x44: {  	_ =	shalt  }
0x45: {  	_ =	shalt  }
0x46: {  	_ =	shalt  }
0x47: {  	_ =	shalt  }
0x48: {  	_ =	shalt  }
0x49: {  	_ =	shalt  }
0x4a: {  	_ =	shalt  }
0x4b: {  	_ =	shalt  }
0x4c: {  	_ =	shalt  }
0x4d: {  	_ =	shalt  }
0x4e: {  	_ =	shalt  }
0x4f: {  	_ =	shalt  }
0x50: {  	_ =	shalt  }
0x51: {  	_ =	shalt  }
0x52: {  	_ =	shalt  }
0x53: {  	_ =	shalt  }
0x54: {  	_ =	shalt  }
0x55: {  	_ =	shalt  }
0x56: {  	_ =	shalt  }
0x57: {  	_ =	shalt  }
0x58: {  	_ =	shalt  }
0x59: {  	_ =	shalt  }
0x5a: {  	_ =	shalt  }
0x5b: {  	_ =	shalt  }
0x5c: {  	_ =	shalt  }
0x5d: {  	_ =	shalt  }
0x5e: {  	_ =	shalt  }
0x5f: {  	_ =	shalt  }
0x60: {  	_ =	shalt  }
0x61: {  	_ =	shalt  }
0x62: {  	_ =	shalt  }
0x63: {  	_ =	shalt  }
0x64: {  	_ =	shalt  }
0x65: {  	_ =	shalt  }
0x66: {  	_ =	shalt  }
0x67: {  	_ =	shalt  }
0x68: {  	_ =	shalt  }
0x69: {  	_ =	shalt  }
0x6a: {  	_ =	shalt  }
0x6b: {  	_ =	shalt  }
0x6c: {  	_ =	shalt  }
0x6d: {  	_ =	shalt  }
0x6e: {  	_ =	shalt  }
0x6f: {  	_ =	shalt  }
0x70: {  	_ =	shalt  }
0x71: {  	_ =	shalt  }
0x72: {  	_ =	shalt  }
0x73: {  	_ =	shalt  }
0x74: {  	_ =	shalt  }
0x75: {  	_ =	shalt  }
0x76: {  	_ =	shalt  }
0x77: {  	_ =	shalt  }
0x78: {  	_ =	shalt  }
0x79: {  	_ =	shalt  }
0x7a: {  	_ =	shalt  }
0x7b: {  	_ =	shalt  }
0x7c: {  	_ =	shalt  }
0x7d: {  	_ =	shalt  }
0x7e: {  	_ =	shalt  }
0x7f: {  	_ =	shalt  }
0x80: {  	_ =	shalt  }
0x81: {  	_ =	shalt  }
0x82: {  	_ =	shalt  }
0x83: {  	_ =	shalt  }
0x84: {  	_ =	shalt  }
0x85: {  	_ =	shalt  }
0x86: {  	_ =	shalt  }
0x87: {  	_ =	shalt  }
.Lfunc_end0:
.L_simem_size_0:
called_computation_lowered:
.L_overlay_start_0:
0x88: {  	s2 =	sld [smem:$0x3FD9]  }
0x89: {  	s3 =	sld [smem:$0x3FFE];
	_ =	sdelay $0x1  }
0x8a: {  	s1 =	srdreg.scid  }
0x8b: {  	s0 =	sand.u32 $0x1, s1  }
0x8c: {  	s17 =	sshll.u32 s0, $0xA;
	s2 =	sadd.s32 s3, s2  }
0x8d: {  	s2 =	sadd.s32 s2, s17  }
0x8e: {  	[smem:$0x3FC2] =	sst s2  }
0x8f: {  	_ = 	snop  }
0x90: {  	s2 =	sld [smem:$0x3FD0];
	(tm) =	ssettm $0x1  }
0x91: {  	s18 =	sld [smem:$0x3FFB];
	_ =	sdelay $0x3  }
0x92: {  	_ =	strace s18  }
0x93: {  	s3 =	sld [smem:$0x3FFC];
	_ =	sdelay $0x3  }
0x94: {  	_ =	strace s3  }
0x95: {  	s3 =	sld [smem:$0x3FFD];
	_ =	sdelay $0x3  }
0x96: {  	_ =	strace s3  }
0x97: {  	_ =	strace $0x8FFFFFFF  }
0x98: {  	s19 =	sld [smem:$0x3FDB];
	_ =	sdelay $0x1  }
0x99: {  	s4 =	simm.s32 $_scs_section_size  }
0x9a: {  	s5 =	simm.s32 $_size__tile_overlayer_lowered;
	s6 =	simm.s32 $_tile_overlayer_lowered  }
0x9b: {  	s22 =	simm.s32 $0x1BFF;
	s21 =	sshll.u32 s6, $0x1;
	s3 =	sadd.s32 s4, s19  }
0x9c: {  	s7 =	simm.s32 $0x0;
	s20 =	sshll.u32 s5, $0x1;
	s5 =	sadd.s32 s21, s3  }
0x9d: {  	[timem:s7], [sflag:s22] =	dma.local [hbm:s5], s20  }
0x9e: {  	_ =	swait.ge [sflag:s22], s20  }
0x9f: {  	s4 =	ssub.s32 $0x0, s20;
	[sflag:s22] =	ssyncset.done $0x0  }
0xa0: {  	[sflag:s22] =	ssyncadd.s32 s4;
	_ =	sdelay $0x1  }
0xa1: {  	s23 =	simm.s32 $0x1B8B  }
0xa2: {  	_ =	swait.ge [sflag:s23], $0x1  }
0xa3: {  	[sflag:s23] =	ssyncset.done $0x0  }
0xa4: {  	s25 =	simm.s32 $0x1B8E;
	s24 =	sld [smem:$0x3FFE];
	[sflag:s23] =	ssyncadd.s32 $0xFFFFFFFF  }
0xa5: {  	s26 =	simm.s32 $execute0_lowered;
	[smem:$0x3FD2] =	sst s25  }
0xa6: {  	s5 =	sshll.u32 s26, $0x1;
	_ =	strace $0x80000046;
	[dreg:$0x1] =	wrdreg $0xFFFFFFFF  }
0xa7: {  	s28 =	simm.s32 $_size_execute0_lowered;
	s3 =	sadd.s32 s3, s5;
	[dreg:$0x0] =	wrdreg $0x0  }
0xa8: {  	s5 =	sshll.u32 s28, $0x1;
	[dreg:$0x2] =	wrdreg s3  }
0xa9: {  	[dreg:$0x3] =	wrdreg s5  }
0xaa: {  	[dreg:$0x4] =	wrdreg $0xC0  }
0xab: {  	_ =	task [dreg:s7], $0x5FFFF  }
0xac: {  	[dreg:$0x1] =	wrdreg $0xFFFFFFFF  }
0xad: {  	[dreg:$0x0] =	wrdreg $0x60  }
0xae: {  	[dreg:$0x2] =	wrdreg s2  }
0xaf: {  	[dreg:$0x3] =	wrdreg s24  }
0xb0: {  	[dreg:$0x4] =	wrdreg $0x188000  }
0xb1: {  	[dreg:$0x5] =	wrdreg $0x9  }
0xb2: {  	_ =	task.clear_ibuf [dreg:s7], $0x6FFFF;
	_ =	strace $0x90000046  }
0xb3: {  	s29 =	simm.s32 $0x9;
	_ =	strace $0x80000048  }
0xb4: {  	_ =	swait.ge [sflag:s29], $0x1  }
0xb5: {  	[sflag:s29] =	ssyncadd.s32 $0xFFFFFFFF  }
0xb6: {  	_ =	strace $0x90000048  }
0xb7: {  	_ =	sfence  }
0xb8: {  	s30 =	sld [smem:$0x0];
	_ =	sdelay $0x2  }
0xb9: {  	s31 =	sshll.u32 s1, $0xD;
	s1 =	sshrl.u32 s1, $0x2  }
0xba: {  	s3 =	sand.u32 $0x4000, s31;
	s1 =	sadd.s32 s1, s30  }
0xbb: {  	s0 =	sor.u32 s3, s0;
	s1 =	sshll.u32 s1, $0x11  }
0xbc: {  	s0 =	sor.u32 s1, s0  }
0xbd: {  	s0 =	sadd.s32 $0x8F2B, s0  }
0xbe: {  	[sflag:s0] =	ssyncadd.remote.s32 $0x1  }
0xbf: {  	_ =	sfence.sel $0xFFFF  }
0xc0: {  	[dreg:$0x0] =	wrdreg $0xFFFFFFFF;
	(pc) =	sbr.abs _section_cstart, $3  }
0xc1: {  	[dreg:$0x1] =	wrdreg $0xFFFFFFFF  }
0xc2: {  	_ =	task.clear_ibuf [dreg:s7], $0x2FFFF;
	_ =	strace $0x9FFFFFFF  }
0xc3: {  	(tm) =	ssettm $0x7FFFFFFF  }
tec
execute0_lowered:
.L_overlay_start_1:
0x0: {  	(tag) =	ssettag $0x1  }
0x1: {  	s0 =	rddreg [dreg:$0x0]  }
0x2: {  	s1 =	rddreg [dreg:$0x1];
	s3 =	srdreg.scid  }
0x3: {  	s4 =	stileid.u32;
	s2 =	rddreg [dreg:$0x2];
	s13 =	simm.s32 $0x16800  }
0x4: {  	s14 =	simm.s32 $0x80;
	s15 =	simm.s32 $0xC800;
	s16 =	simm.s32 $0xE800  }
0x5: {  	s18 =	simm.s32 $0x10800;
	s20 =	simm.s32 $0x12800;
	s22 =	simm.s32 $0x14800  }
0x6: {  	s23 =	simm.s32 $0x1;
	s24 =	simm.s32 $0x2;
	s28 =	simm.s32 $0x5  }
0x7: {  	s29 =	simm.s32 $0x6;
	s30 =	simm.s32 $0x7;
	s31 =	simm.s32 $0x8  }
0x8: {  	s5 =	sand.u32 $0x1, s3;
	s4 =	sshll.u32 s4, $0x1;
	s3 =	simm.s32 $0x0  }
0x9: {  	s17 =	simm.s32 $0x0;
	s6 =	sor.u32 s5, s4;
	[smem:$0x7FF] =	sst s3  }
0xa: {  	s4 =	sadd.s32 $0x19A00, s1;
	s9 =	ssub.s32 $0x2, s5;
	s5 =	sadd.s32 $0xF5BE00, s1  }
0xb: {  	s7 =	smul.u32 $0xC80, s6;
	_ =	strace $0x80000047;
	s11 =	sshrl.u32 s9, $0x1  }
0xc: {  	s10 =	sshll.u32 s6, $0xA;
	s26 =	sshll.u32 s6, $0xD;
	s25 =	ssub.s32 s9, s11  }
0xd: {  	s11 =	simm.s32 $0xB;
	s8 =	sadd.s32 s7, s1;
	s1 =	sadd.s32 s10, s1  }
0xe: {  	s6 =	sadd.s32 s0, s7;
	s10 =	smax.u32 s25, $0x1;
	s25 =	simm.s32 $0x3  }
0xf: {  	s0 =	simm.s32 $0xA;
	s7 =	sadd.s32 $0xA00, s8;
	s8 =	sadd.s32 s26, s2  }
0x10: {  	s9 =	sadd.s32 $0x19E00, s1;
	s26 =	simm.s32 $0x4;
	s1 =	simm.s32 $0x9  }
.LBB2_1:
0x11: {  	[tilespmem:s3], [sflag:$0xB] =	stream.linear.gather [hbm4b:s6+s3], $0x6400, $0x38;
	[tilespmem:$0x1C800] =	vst v63  }
0x12: {  	_ =	swait.ge [sflag:s11], $0x6400  }
0x13: {  	[sflag:s11] =	ssyncset.done $0x0  }
0x14: {  	s12 =	simm.s32 $0x6400;
	[sflag:s11] =	ssyncadd.s32 $0xFFFF9C00  }
0x15: {  	[tilespmem:s12], [sflag:$0xB] =	stream.linear.gather [hbm4b:s7+s3], $0x6400, $0x38;
	[tilespmem:$0x1C800] =	vst v63  }
0x16: {  	_ =	swait.ge [sflag:s11], $0x6400  }
0x17: {  	[sflag:s11] =	ssyncset.done $0x0  }
0x18: {  	[sflag:s11] =	ssyncadd.s32 $0xFFFF9C00  }
0x19: {  	[tilespmem:s13], [sflag:$0xB] =	stream.linear.gather [hbm4b:s4+s3], $0x2000, $0x38;
	[tilespmem:$0x1C800] =	vst v63  }
0x1a: {  	_ =	swait.ge [sflag:s11], $0x2000  }
0x1b: {  	[sflag:s11] =	ssyncset.done $0x0  }
0x1c: {  	[sflag:s11] =	ssyncadd.s32 $0xFFFFE000  }
0x1d: {  	[spmem:s8] =	stream.linear.scatter [tilespmem:s13], [sflag:$0xB], $0x2000, $0x38;
	[tilespmem:$0x1C800] =	vst v63  }
0x1e: {  	_ =	swait.ge [sflag:s11], $0x2000  }
0x1f: {  	[sflag:s11] =	ssyncset.done $0x0  }
0x20: {  	[sflag:s11] =	ssyncadd.s32 $0xFFFFE000  }
0x21: {  	[tilespmem:s15], [sflag:$0x1] =	stream.indirect.gather [hbm4b:s5+s14], $0x40, s3, s14, $0xb8;
	[tilespmem:$0x1C800] =	vst v63  }
0x22: {  	_ = 	snop  }
0x23: {  	[tilespmem:s16], [sflag:$0x2] =	stream.indirect.gather [hbm4b:s5+s14], $0x40, s14, s14, $0xb8;
	[tilespmem:$0x1C800] =	vst v63  }
0x24: {  	s21 =	simm.s32 $0x100  }
0x25: {  	[tilespmem:s18], [sflag:$0x3] =	stream.indirect.gather [hbm4b:s5+s14], $0x40, s21, s14, $0xb8;
	[tilespmem:$0x1C800] =	vst v63  }
0x26: {  	s19 =	simm.s32 $0x180  }
0x27: {  	[tilespmem:s20], [sflag:$0x4] =	stream.indirect.gather [hbm4b:s5+s14], $0x40, s19, s14, $0xb8;
	[tilespmem:$0x1C800] =	vst v63  }
0x28: {  	s21 =	simm.s32 $0x200  }
0x29: {  	[tilespmem:s22], [sflag:$0x5] =	stream.indirect.gather [hbm4b:s5+s14], $0x40, s21, s14, $0xb8;
	[tilespmem:$0x1C800] =	vst v63  }
0x2a: {  	_ =	swait.ge [sflag:s23], $0x2000  }
0x2b: {  	[sflag:s23] =	ssyncset.done $0x0  }
0x2c: {  	s19 =	simm.s32 $0x6400;
	[sflag:s23] =	ssyncadd.s32 $0xFFFFE000  }
0x2d: {  	[spmem:s2] =	stream.indirect.scatter.add.f32 [tilespmem:s15], [sflag:$0x6], $0x40, s19, s14, $0xb8;
	[tilespmem:$0x1C800] =	vst v63  }
0x2e: {  	_ =	swait.ge [sflag:s24], $0x2000  }
0x2f: {  	[sflag:s24] =	ssyncset.done $0x0  }
0x30: {  	s12 =	simm.s32 $0x6480;
	[sflag:s24] =	ssyncadd.s32 $0xFFFFE000  }
0x31: {  	[spmem:s2] =	stream.indirect.scatter.add.f32 [tilespmem:s16], [sflag:$0x7], $0x40, s12, s14, $0xb8;
	[tilespmem:$0x1C800] =	vst v63  }
0x32: {  	_ =	swait.ge [sflag:s25], $0x2000  }
0x33: {  	[sflag:s25] =	ssyncset.done $0x0  }
0x34: {  	s21 =	simm.s32 $0x6500;
	[sflag:s25] =	ssyncadd.s32 $0xFFFFE000  }
0x35: {  	[spmem:s2] =	stream.indirect.scatter.add.f32 [tilespmem:s18], [sflag:$0x8], $0x40, s21, s14, $0xb8;
	[tilespmem:$0x1C800] =	vst v63  }
0x36: {  	_ =	swait.ge [sflag:s26], $0x2000  }
0x37: {  	[sflag:s26] =	ssyncset.done $0x0  }
0x38: {  	s12 =	simm.s32 $0x6580;
	[sflag:s26] =	ssyncadd.s32 $0xFFFFE000  }
0x39: {  	[spmem:s2] =	stream.indirect.scatter.add.f32 [tilespmem:s20], [sflag:$0x9], $0x40, s12, s14, $0xb8;
	[tilespmem:$0x1C800] =	vst v63  }
0x3a: {  	_ =	swait.ge [sflag:s28], $0x2000  }
0x3b: {  	[sflag:s28] =	ssyncset.done $0x0  }
0x3c: {  	s21 =	simm.s32 $0x6600;
	[sflag:s28] =	ssyncadd.s32 $0xFFFFE000  }
0x3d: {  	[spmem:s2] =	stream.indirect.scatter.add.f32 [tilespmem:s22], [sflag:$0xA], $0x40, s21, s14, $0xb8;
	[tilespmem:$0x1C800] =	vst v63  }
0x3e: {  	_ =	swait.ge [sflag:s29], $0x2000  }
0x3f: {  	[sflag:s29] =	ssyncset.done $0x0  }
0x40: {  	s12 =	simm.s32 $0x280;
	[sflag:s29] =	ssyncadd.s32 $0xFFFFE000  }
0x41: {  	[tilespmem:s15], [sflag:$0x1] =	stream.indirect.gather [hbm4b:s5+s14], $0x40, s12, s14, $0xb8;
	[tilespmem:$0x1C800] =	vst v63  }
0x42: {  	_ =	swait.ge [sflag:s30], $0x2000  }
0x43: {  	[sflag:s30] =	ssyncset.done $0x0  }
0x44: {  	s21 =	simm.s32 $0x300;
	[sflag:s30] =	ssyncadd.s32 $0xFFFFE000  }
0x45: {  	[tilespmem:s16], [sflag:$0x2] =	stream.indirect.gather [hbm4b:s5+s14], $0x40, s21, s14, $0xb8;
	[tilespmem:$0x1C800] =	vst v63  }
0x46: {  	_ =	swait.ge [sflag:s31], $0x2000  }
0x47: {  	[sflag:s31] =	ssyncset.done $0x0  }
0x48: {  	s12 =	simm.s32 $0x380;
	[sflag:s31] =	ssyncadd.s32 $0xFFFFE000  }
0x49: {  	[tilespmem:s18], [sflag:$0x3] =	stream.indirect.gather [hbm4b:s5+s14], $0x40, s12, s14, $0xb8;
	[tilespmem:$0x1C800] =	vst v63  }
0x4a: {  	_ =	swait.ge [sflag:s1], $0x2000  }
0x4b: {  	[sflag:s1] =	ssyncset.done $0x0  }
0x4c: {  	s21 =	simm.s32 $0x400;
	[sflag:s1] =	ssyncadd.s32 $0xFFFFE000  }
0x4d: {  	[tilespmem:s20], [sflag:$0x4] =	stream.indirect.gather [hbm4b:s5+s14], $0x40, s21, s14, $0xb8;
	[tilespmem:$0x1C800] =	vst v63  }
0x4e: {  	_ =	swait.ge [sflag:s0], $0x2000  }
0x4f: {  	[sflag:s0] =	ssyncset.done $0x0  }
0x50: {  	s19 =	simm.s32 $0xA00;
	s21 =	simm.s32 $0x480;
	[sflag:s0] =	ssyncadd.s32 $0xFFFFE000  }
.LBB2_2:
0x51: {  	[tilespmem:s22], [sflag:$0x5] =	stream.indirect.gather [hbm4b:s5+s14], $0x40, s21, s14, $0xb8;
	[tilespmem:$0x1C800] =	vst v63  }
0x52: {  	s21 =	smov.u32 s19  }
0x53: {  	p0 =	sne.s32 s19, $0x17C00;
	s19 =	sadd.s32 $0xA00, s19;
	_ =	swait.ge [sflag:s23], $0x2000  }
0x54: {  	s21 =	sshra.s32 s21, $0x2;
	[sflag:s23] =	ssyncset.done $0x0  }
0x55: {  	s12 =	sadd.s32 $0x6400, s21;
	[sflag:s23] =	ssyncadd.s32 $0xFFFFE000  }
0x56: {  	[spmem:s2] =	stream.indirect.scatter.add.f32 [tilespmem:s15], [sflag:$0x6], $0x40, s12, s14, $0xb8;
	[tilespmem:$0x1C800] =	vst v63  }
0x57: {  	_ =	swait.ge [sflag:s24], $0x2000  }
0x58: {  	[sflag:s24] =	ssyncset.done $0x0  }
0x59: {  	s12 =	sadd.s32 $0x6480, s21;
	[sflag:s24] =	ssyncadd.s32 $0xFFFFE000  }
0x5a: {  	[spmem:s2] =	stream.indirect.scatter.add.f32 [tilespmem:s16], [sflag:$0x7], $0x40, s12, s14, $0xb8;
	[tilespmem:$0x1C800] =	vst v63  }
0x5b: {  	_ =	swait.ge [sflag:s25], $0x2000  }
0x5c: {  	[sflag:s25] =	ssyncset.done $0x0  }
0x5d: {  	s12 =	sadd.s32 $0x6500, s21;
	[sflag:s25] =	ssyncadd.s32 $0xFFFFE000  }
0x5e: {  	[spmem:s2] =	stream.indirect.scatter.add.f32 [tilespmem:s18], [sflag:$0x8], $0x40, s12, s14, $0xb8;
	[tilespmem:$0x1C800] =	vst v63  }
0x5f: {  	_ =	swait.ge [sflag:s26], $0x2000  }
0x60: {  	[sflag:s26] =	ssyncset.done $0x0  }
0x61: {  	s12 =	sadd.s32 $0x6580, s21;
	[sflag:s26] =	ssyncadd.s32 $0xFFFFE000  }
0x62: {  	[spmem:s2] =	stream.indirect.scatter.add.f32 [tilespmem:s20], [sflag:$0x9], $0x40, s12, s14, $0xb8;
	[tilespmem:$0x1C800] =	vst v63  }
0x63: {  	_ =	swait.ge [sflag:s28], $0x2000  }
0x64: {  	[sflag:s28] =	ssyncset.done $0x0  }
0x65: {  	s12 =	sadd.s32 $0x6600, s21;
	[sflag:s28] =	ssyncadd.s32 $0xFFFFE000  }
0x66: {  	[spmem:s2] =	stream.indirect.scatter.add.f32 [tilespmem:s22], [sflag:$0xA], $0x40, s12, s14, $0xb8;
	[tilespmem:$0x1C800] =	vst v63  }
0x67: {  	_ =	swait.ge [sflag:s29], $0x2000  }
0x68: {  	[sflag:s29] =	ssyncset.done $0x0  }
0x69: {  	s12 =	sadd.s32 $0x280, s21;
	[sflag:s29] =	ssyncadd.s32 $0xFFFFE000  }
0x6a: {  	[tilespmem:s15], [sflag:$0x1] =	stream.indirect.gather [hbm4b:s5+s14], $0x40, s12, s14, $0xb8;
	[tilespmem:$0x1C800] =	vst v63  }
0x6b: {  	_ =	swait.ge [sflag:s30], $0x2000  }
0x6c: {  	[sflag:s30] =	ssyncset.done $0x0  }
0x6d: {  	s12 =	sadd.s32 $0x300, s21;
	[sflag:s30] =	ssyncadd.s32 $0xFFFFE000  }
0x6e: {  	[tilespmem:s16], [sflag:$0x2] =	stream.indirect.gather [hbm4b:s5+s14], $0x40, s12, s14, $0xb8;
	[tilespmem:$0x1C800] =	vst v63  }
0x6f: {  	_ =	swait.ge [sflag:s31], $0x2000  }
0x70: {  	[sflag:s31] =	ssyncset.done $0x0  }
0x71: {  	s12 =	sadd.s32 $0x380, s21;
	[sflag:s31] =	ssyncadd.s32 $0xFFFFE000  }
0x72: {  	[tilespmem:s18], [sflag:$0x3] =	stream.indirect.gather [hbm4b:s5+s14], $0x40, s12, s14, $0xb8;
	[tilespmem:$0x1C800] =	vst v63  }
0x73: {  	_ =	swait.ge [sflag:s1], $0x2000  }
0x74: {  	[sflag:s1] =	ssyncset.done $0x0  }
.Ltmp0:
0x75: {  	s12 =	sadd.s32 $0x400, s21;
	[sflag:s1] =	ssyncadd.s32 $0xFFFFE000;
	(pc) =	sbr.rel @p0 .LBB2_2-.Ltmp0, $4  }
0x76: {  	[tilespmem:s20], [sflag:$0x4] =	stream.indirect.gather [hbm4b:s5+s14], $0x40, s12, s14, $0xb8;
	[tilespmem:$0x1C800] =	vst v63  }
0x77: {  	_ =	swait.ge [sflag:s0], $0x2000  }
0x78: {  	[sflag:s0] =	ssyncset.done $0x0  }
0x79: {  	s21 =	sadd.s32 $0x480, s21;
	[sflag:s0] =	ssyncadd.s32 $0xFFFFE000  }
0x7a: {  	[tilespmem:s22], [sflag:$0x5] =	stream.indirect.gather [hbm4b:s5+s14], $0x40, s21, s14, $0xb8;
	[tilespmem:$0x1C800] =	vst v63  }
0x7b: {  	_ =	swait.ge [sflag:s23], $0x2000  }
0x7c: {  	[sflag:s23] =	ssyncset.done $0x0  }
0x7d: {  	s12 =	simm.s32 $0xC580;
	[sflag:s23] =	ssyncadd.s32 $0xFFFFE000  }
0x7e: {  	[spmem:s2] =	stream.indirect.scatter.add.f32 [tilespmem:s15], [sflag:$0x6], $0x40, s12, s14, $0xb8;
	[tilespmem:$0x1C800] =	vst v63  }
0x7f: {  	_ =	swait.ge [sflag:s24], $0x2000  }
0x80: {  	[sflag:s24] =	ssyncset.done $0x0  }
0x81: {  	s19 =	simm.s32 $0xC600;
	[sflag:s24] =	ssyncadd.s32 $0xFFFFE000  }
0x82: {  	[spmem:s2] =	stream.indirect.scatter.add.f32 [tilespmem:s16], [sflag:$0x7], $0x40, s19, s14, $0xb8;
	[tilespmem:$0x1C800] =	vst v63  }
0x83: {  	_ =	swait.ge [sflag:s25], $0x2000  }
0x84: {  	[sflag:s25] =	ssyncset.done $0x0  }
0x85: {  	s21 =	simm.s32 $0xC680;
	[sflag:s25] =	ssyncadd.s32 $0xFFFFE000  }
0x86: {  	[spmem:s2] =	stream.indirect.scatter.add.f32 [tilespmem:s18], [sflag:$0x8], $0x40, s21, s14, $0xb8;
	[tilespmem:$0x1C800] =	vst v63  }
0x87: {  	_ =	swait.ge [sflag:s26], $0x2000  }
0x88: {  	[sflag:s26] =	ssyncset.done $0x0  }
0x89: {  	s19 =	simm.s32 $0xC700;
	[sflag:s26] =	ssyncadd.s32 $0xFFFFE000  }
0x8a: {  	[spmem:s2] =	stream.indirect.scatter.add.f32 [tilespmem:s20], [sflag:$0x9], $0x40, s19, s14, $0xb8;
	[tilespmem:$0x1C800] =	vst v63  }
0x8b: {  	_ =	swait.ge [sflag:s28], $0x2000  }
0x8c: {  	[sflag:s28] =	ssyncset.done $0x0  }
0x8d: {  	s21 =	simm.s32 $0xC780;
	[sflag:s28] =	ssyncadd.s32 $0xFFFFE000  }
0x8e: {  	[spmem:s2] =	stream.indirect.scatter.add.f32 [tilespmem:s22], [sflag:$0xA], $0x40, s21, s14, $0xb8;
	[tilespmem:$0x1C800] =	vst v63  }
0x8f: {  	_ =	swait.ge [sflag:s29], $0x2000  }
0x90: {  	[sflag:s29] =	ssyncset.done $0x0  }
0x91: {  	[sflag:s29] =	ssyncadd.s32 $0xFFFFE000  }
0x92: {  	_ =	swait.ge [sflag:s30], $0x2000  }
0x93: {  	[sflag:s30] =	ssyncset.done $0x0  }
0x94: {  	[sflag:s30] =	ssyncadd.s32 $0xFFFFE000  }
0x95: {  	_ =	swait.ge [sflag:s31], $0x2000  }
0x96: {  	[sflag:s31] =	ssyncset.done $0x0  }
0x97: {  	[sflag:s31] =	ssyncadd.s32 $0xFFFFE000  }
0x98: {  	_ =	swait.ge [sflag:s1], $0x2000  }
0x99: {  	[sflag:s1] =	ssyncset.done $0x0  }
0x9a: {  	[sflag:s1] =	ssyncadd.s32 $0xFFFFE000  }
0x9b: {  	_ =	swait.ge [sflag:s0], $0x2000  }
0x9c: {  	[sflag:s0] =	ssyncset.done $0x0  }
0x9d: {  	[sflag:s0] =	ssyncadd.s32 $0xFFFFE000  }
0x9e: {  	[tilespmem:s13], [sflag:$0xB] =	stream.linear.gather [spmem:s8], $0x2000, $0x38;
	[tilespmem:$0x1C800] =	vst v63  }
0x9f: {  	s17 =	sadd.s32 $0x1, s17;
	_ =	swait.ge [sflag:s11], $0x2000  }
0xa0: {  	p0 =	sne.s32 s17, s10;
	[sflag:s11] =	ssyncset.done $0x0  }
.Ltmp1:
0xa1: {  	[sflag:s11] =	ssyncadd.s32 $0xFFFFE000;
	(pc) =	sbr.rel @p0 .LBB2_1-.Ltmp1, $4  }
0xa2: {  	[hbm4b:s9+s3] =	stream.linear.scatter [tilespmem:s13], [sflag:$0xB], $0x2000, $0x38;
	[tilespmem:$0x1C800] =	vst v63  }
0xa3: {  	_ =	swait.ge [sflag:s11], $0x2000  }
0xa4: {  	[sflag:s11] =	ssyncset.done $0x0  }
0xa5: {  	[sflag:s11] =	ssyncadd.s32 $0xFFFFE000  }
0xa6: {  	_ =	sfence.sel $0x180000  }
0xa7: {  	[bflag:$0x0] =	sbarrier.arrive $0xFFFF  }
0xa8: {  	_ =	strace $0x90000047  }
0xa9: {  	s0 =	stileid.u32;
	[bflag:$0x2] =	sbarrier.arrive $0xFFFF  }
0xaa: {  	p0 =	sne.s32 s0, $0x0;
	s0 =	rddreg [dreg:$0x3]  }
0xab: {  	s0 =	sadd.s32 @!p0 $0x100000, s0  }
0xac: {  	[sflag:s0] =	ssyncadd.tile.s32 @!p0 $0x1;
	_ =	shalt  }
.Lfunc_end2:
_tile_overlayer_lowered:
.L_overlay_start_2:
0xad: {  	(tag) =	ssettag $0x2  }
0xae: {  	s0 =	rddreg [dreg:$0x0];
	s2 =	stileid.u32  }
0xaf: {  	s1 =	rddreg [dreg:$0x1];
	p0 =	sne.s32 s2, $0x0  }
0xb0: {  	s3 =	rddreg [dreg:$0x2];
	[bflag:$0x3] =	sbarrier.arrive $0xFFFF;
	s2 =	simm.s32 @!p0 $0x1C0B  }
0xb1: {  	[timem:s3], [sflag:s2] =	dma.local @!p0 [hbm:s0], s1  }
0xb2: {  	s0 =	simm.s32 @!p0 $0xB  }
0xb3: {  	_ =	swait.ge @!p0 [sflag:s0], s1  }
0xb4: {  	s1 =	ssub.s32 @!p0 $0x0, s1;
	[sflag:s0] =	ssyncset.done @!p0 $0x0  }
0xb5: {  	[sflag:s0] =	ssyncadd.s32 @!p0 s1  }
0xb6: {  	[bflag:$0x3] =	sbarrier.arrive $0xFFFF  }
0xb7: {  	_ =	shalt  }

</sc_bundles>
